<compile_context>
chip_gen: v7x
topology: tpu7x:2x2x1
jax: 0.10.2.dev20260603
libtpu: 0.0.44.dev20260713+nightly
codegen_flags: <defaults>
</compile_context>

<pallas_src>
import functools

import jax
import jax.numpy as jnp
from jax import lax
from jax.experimental import pallas as pl
from jax.experimental.pallas import tpu as pltpu
from jax.experimental.pallas import tpu_sc as plsc

_WINDOW = 5
_NEG = 4

_NC = 2
_NS = 16
_NW = _NC * _NS


_CH = 640


def _sc_gather(table, idx_all):
    n = idx_all.shape[0]
    d = table.shape[1]
    per_w = n // _NW
    assert per_w % _CH == 0 and n % _NW == 0
    nch = per_w // _CH
    npair = (nch + 1) // 2

    mesh = plsc.VectorSubcoreMesh(
        core_axis_name="c", subcore_axis_name="s",
        num_cores=_NC, num_subcores=_NS)

    @functools.partial(
        pl.kernel,
        out_type=jax.ShapeDtypeStruct((n, d), jnp.uint32),
        mesh=mesh,
        scratch_types=[
            pltpu.VMEM((per_w,), jnp.int32),
            pltpu.VMEM((2, _CH, d), jnp.uint32),
            pltpu.SemaphoreType.DMA,
            pltpu.SemaphoreType.DMA,
        ],
        compiler_params=pltpu.CompilerParams(use_tc_tiling_on_sc=False),
    )
    def gather_kernel(table_hbm, idx_hbm, out_hbm, idx_v, rows_v, sem0, sem1):
        wid = lax.axis_index("s") * _NC + lax.axis_index("c")
        base = pl.multiple_of(wid * per_w, 8)
        pltpu.sync_copy(idx_hbm.at[pl.ds(base, per_w)], idx_v)
        sems = (sem0, sem1)

        def gather_chunk(i, b):
            off = pl.multiple_of(i * _CH, 8)
            return pltpu.make_async_copy(
                table_hbm.at[idx_v.at[pl.ds(off, _CH)]], rows_v.at[b], sems[b])

        gather_chunk(0, 0).start()

        def pair(j, carry):
            for b in range(2):
                i = 2 * j + b

                @pl.when(i + 1 < nch)
                def _():
                    gather_chunk(i + 1, 1 - b).start()

                @pl.when(i < nch)
                def _():
                    gather_chunk(i, b).wait()
                    pltpu.sync_copy(
                        rows_v.at[b],
                        out_hbm.at[pl.ds(pl.multiple_of(base + i * _CH, 8),
                                         _CH)])
            return carry

        lax.fori_loop(0, npair, pair, 0)

    return gather_kernel(table, idx_all)


def _transpose_body(in_ref, out_ref):
    x = in_ref[...]
    d = x.shape[0]
    b = lax.bitcast_convert_type(x, jnp.uint32)
    rnd = (b + jnp.uint32(0x7FFF) + ((b >> 16) & jnp.uint32(1))) >> 16
    u = (rnd[d // 2:, :] << 16) | rnd[:d // 2, :]
    out_ref[...] = u.T


def _tc_row_major(table):
    n, d = table.shape
    nblk = 16384
    return pl.pallas_call(
        _transpose_body,
        grid=((n + nblk - 1) // nblk,),
        in_specs=[pl.BlockSpec((d, nblk), lambda i: (0, i))],
        out_specs=pl.BlockSpec((nblk, d // 2), lambda i: (i, 0)),
        out_shape=jax.ShapeDtypeStruct((n, d // 2), jnp.uint32),
    )(table.T)


def _rowsum(prod, ones_row):
    return lax.dot_general(ones_row, prod, (((1,), (1,)), ((), ())),
                           preferred_element_type=jnp.float32)


def _softplus_masked_sum(x, mask):
    sp = jnp.maximum(x, 0.0) + jnp.log1p(jnp.exp(-jnp.abs(x)))
    return jnp.sum(jnp.where(mask, sp, 0.0))


def _unpack2_f32(u):
    lo = lax.bitcast_convert_type(u << 16, jnp.float32)
    hi = lax.bitcast_convert_type(u & jnp.uint32(0xFFFF0000), jnp.float32)
    return lo, hi


def _loss_body(w_ref, n0_ref, n1_ref, n2_ref, n3_ref, out_ref, *,
               t, r, l, nb, scale):
    pid = pl.program_id(0)
    rl = r * l
    dh = w_ref.shape[-1]
    wlo, whi = _unpack2_f32(w_ref[...])
    ones_row = jnp.ones((1, dh), jnp.float32)
    acc = jnp.float32(0.0)
    for k in range(1, _WINDOW):
        prod = wlo[:rl - k, :] * wlo[k:, :] + whi[:rl - k, :] * whi[k:, :]
        s = _rowsum(prod, ones_row)
        pos_t = lax.broadcasted_iota(jnp.int32, (1, rl - k), 1) % l
        acc += _softplus_masked_sum(-s, pos_t < t)
    for n_ref in (n0_ref, n1_ref, n2_ref, n3_ref):
        nlo, nhi = _unpack2_f32(n_ref[...])
        nl = _rowsum(wlo * nlo + whi * nhi, ones_row)
        neg_t = lax.broadcasted_iota(jnp.int32, (1, rl), 1) % l
        acc += _softplus_masked_sum(nl, neg_t < t)

    @pl.when(pid == 0)
    def _():
        out_ref[...] = jnp.zeros_like(out_ref)

    out_ref[...] += acc.reshape(1, 1)

    @pl.when(pid == nb - 1)
    def _():
        out_ref[...] *= jnp.float32(scale)


def _tc_loss(gathered, b, l, t):
    d = gathered.shape[-1]
    r = 64
    nb = b // r
    n_terms = b * t * (_WINDOW - 1 + _NEG)
    body = functools.partial(_loss_body, t=t, r=r, l=l, nb=nb,
                             scale=1.0 / float(n_terms))

    def slab_spec(k):
        return pl.BlockSpec((r * l, d), lambda i, k=k: (k * nb + i, 0))

    out = pl.pallas_call(
        body,
        grid=(nb,),
        in_specs=[slab_spec(k) for k in range(1 + _NEG)],
        out_specs=pl.BlockSpec((1, 1), lambda i: (0, 0)),
        out_shape=jax.ShapeDtypeStruct((1, 1), jnp.float32),
    )(gathered, gathered, gathered, gathered, gathered)
    return out[0, 0]


def kernel(walk, table):
    b, l = walk.shape
    t = l - _WINDOW + 1
    bt = b * t
    n_nodes, d = table.shape
    neg = jax.random.randint(jax.random.key(42), (bt, _NEG), 1, n_nodes - 1,
                             dtype=jnp.int32)
    pad_idx = jnp.broadcast_to(
        (jnp.arange(b, dtype=jnp.int32) * 719) % n_nodes, (_NEG, l - t, b))
    neg_pad = jnp.concatenate(
        [neg.T.reshape(_NEG, b, t),
         jnp.transpose(pad_idx, (0, 2, 1))], axis=2)
    idx_all = jnp.concatenate([walk.reshape(-1), neg_pad.reshape(-1)])
    assert idx_all.shape[0] % (_NW * _CH) == 0
    table_rm = _tc_row_major(table)
    gathered = _sc_gather(table_rm, idx_all)
    return _tc_loss(gathered, b, l, t)

# --- scband reference (transcript-rebuilt; emitter-appended) ---
"""Pipeline reference for scband-skip-gram-negative-sample-model-74491912782048 (READ-ONLY COPY).

The authoritative reference and input builder live on the scoring server;
editing this copy changes nothing except your own understanding.
"""

import jax, jax.numpy as jnp
import numpy as np

N_NODES = 1000000
N_DIMS = 64
WINDOW_SIZE = 5
NEG_SIZE = 4


def setup_inputs(seed: int = 0) -> dict:
    key = jax.random.key(seed)
    k1, k2 = jax.random.split(key)
    walk = jax.random.randint(k1, (4096, 50), 0, N_NODES, dtype=jnp.int32)
    table = jax.random.normal(k2, (N_NODES, N_DIMS), dtype=jnp.float32) * 0.02
    return {"walk": walk, "table": table}


def reference(walk, table):
    B, L = walk.shape
    T = L - WINDOW_SIZE + 1
    anc = walk[:, :T].reshape(-1)
    pos = jnp.stack([walk[:, i:T + i] for i in range(1, WINDOW_SIZE)], axis=2).reshape(-1, WINDOW_SIZE - 1)
    neg = jax.random.randint(jax.random.key(42), (B * T, NEG_SIZE), 1, N_NODES - 1, dtype=jnp.int32)
    anc_e = jnp.take(table, anc, axis=0)              # [B*T, D]
    pos_e = jnp.take(table, pos, axis=0)              # [B*T, W-1, D]
    neg_e = jnp.take(table, neg, axis=0)              # [B*T, NEG, D]
    pos_logits = jnp.einsum('bkd,bd->bk', pos_e, anc_e)
    neg_logits = jnp.einsum('bkd,bd->bk', neg_e, anc_e)
    logits = jnp.concatenate([pos_logits.reshape(-1), neg_logits.reshape(-1)], axis=0)
    labels = jnp.concatenate([jnp.ones_like(pos_logits).reshape(-1), jnp.zeros_like(neg_logits).reshape(-1)], axis=0)
    # BCEWithLogitsLoss (mean reduction), numerically stable form
    loss = jnp.mean(jnp.maximum(logits, 0.0) - logits * labels + jnp.log1p(jnp.exp(-jnp.abs(logits))))
    return loss

if __name__ == "__main__":
    import jax
    _d = setup_inputs()
    print(jax.jit(kernel)(*tuple(_d.values())))

</pallas_src>

<mosaic_0001>
#map = affine_map<(d0, d1) -> (0, 0)>
#map1 = affine_map<(d0, d1) -> (0)>
module attributes {stable_mosaic.version = 14 : i64} {
  func.func @gather_kernel(%arg0: i32, %arg1: i32, %arg2: memref<1000000x32xi32, #tpu.memory_space<hbm>>, %arg3: memref<1024000xi32, #tpu.memory_space<hbm>>, %arg4: memref<1024000x32xi32, #tpu.memory_space<hbm>>, %arg5: memref<32000xi32, #tpu.memory_space<vmem>>, %arg6: memref<2x640x32xi32, #tpu.memory_space<vmem>>, %arg7: memref<!tpu.dma_semaphore, #tpu.memory_space<semaphore_mem>>, %arg8: memref<!tpu.dma_semaphore, #tpu.memory_space<semaphore_mem>>) attributes {dimension_semantics = [#tpu.dimension_semantics<core_parallel>, #tpu.dimension_semantics<subcore_parallel>], iteration_bounds = array<i64: 2, 16>, scalar_prefetch = 0 : i64, scratch_operands = 4 : i64, tpu.core_type = #tpu.core_type<sc_vector_subcore>, window_params = [{transform_indices = #map}, {transform_indices = #map1}, {transform_indices = #map}]} {
    %mul3A = arith.constant 2 : i32
    %mul3A_0 = arith.muli %arg1, %mul3A : i32
    %add3A = arith.addi %mul3A_0, %arg0 : i32
    %mul3A_1 = arith.constant 32000 : i32
    %mul3A_2 = arith.muli %add3A, %mul3A_1 : i32
    %multiple_of3A = tpu.assume_multiple %mul3A_2, 8 : i32
    "tpu.region"() ({
      %run_scoped3A = tpu.sem_alloc : memref<!tpu.dma_semaphore, #tpu.memory_space<semaphore_mem>>
      %dma_start3A_18 = tpu.memref_slice %arg3[%multiple_of3A] : memref<1024000xi32, #tpu.memory_space<hbm>> -> memref<32000xi32, #tpu.memory_space<hbm>>
      %dma_start3A_19 = tpu.memref_slice %arg3[%multiple_of3A] : memref<1024000xi32, #tpu.memory_space<hbm>> -> memref<32000xi32, #tpu.memory_space<hbm>>
      tpu.enqueue_dma source(%dma_start3A_19 : memref<32000xi32, #tpu.memory_space<hbm>>) target(%arg5 : memref<32000xi32, #tpu.memory_space<vmem>>) target_semaphore(%run_scoped3A : memref<!tpu.dma_semaphore, #tpu.memory_space<semaphore_mem>>)
      %dma_wait3A = tpu.memref_slice %arg3[%multiple_of3A] : memref<1024000xi32, #tpu.memory_space<hbm>> -> memref<32000xi32, #tpu.memory_space<hbm>>
      %dma_wait3A_20 = tpu.memref_slice %arg3[%multiple_of3A] : memref<1024000xi32, #tpu.memory_space<hbm>> -> memref<32000xi32, #tpu.memory_space<hbm>>
      tpu.wait_dma2 semaphore(%run_scoped3A : memref<!tpu.dma_semaphore, #tpu.memory_space<semaphore_mem>>) src(%dma_wait3A_20 : memref<32000xi32, #tpu.memory_space<hbm>>) dst(%arg5 : memref<32000xi32, #tpu.memory_space<vmem>>)
      tpu.yield
    }) : () -> ()
    %multiple_of3A_3 = arith.constant 0 : i32
    %multiple_of3A_4 = tpu.assume_multiple %multiple_of3A_3, 8 : i32
    %dma_start3A = arith.constant 0 : i32
    %dma_start3A_5 = arith.constant 0 : i32
    %dma_start3A_6 = arith.constant 0 : i32
    %dma_start3A_7 = tpu.memref_slice %arg6[%dma_start3A, %dma_start3A_5, %dma_start3A_6] : memref<2x640x32xi32, #tpu.memory_space<vmem>> -> memref<1x640x32xi32, #tpu.memory_space<vmem>>
    %dma_start3A_8 = tpu.memref_squeeze %dma_start3A_7 : memref<1x640x32xi32, #tpu.memory_space<vmem>> -> memref<640x32xi32, #tpu.memory_space<vmem>>
    %dma_start3A_9 = tpu.memref_slice %arg5[%multiple_of3A_4] : memref<32000xi32, #tpu.memory_space<vmem>> -> memref<640xi32, #tpu.memory_space<vmem>>
    %dma_start3A_10 = arith.constant 0 : i32
    %dma_start3A_11 = arith.constant 0 : i32
    %dma_start3A_12 = tpu.memref_slice %arg2[%dma_start3A_10, %dma_start3A_11] : memref<1000000x32xi32, #tpu.memory_space<hbm>> -> memref<1000000x32xi32, #tpu.memory_space<hbm>>
    tpu.enqueue_indirect_dma source(%dma_start3A_12 : memref<1000000x32xi32, #tpu.memory_space<hbm>>) target(%dma_start3A_8 : memref<640x32xi32, #tpu.memory_space<vmem>>) offsets(%dma_start3A_9 : memref<640xi32, #tpu.memory_space<vmem>>) semaphore(%arg7 : memref<!tpu.dma_semaphore, #tpu.memory_space<semaphore_mem>>)
    %scan3A = arith.constant 0 : i32
    %scan3A_13 = arith.constant 0 : i32
    %scan3A_14 = arith.constant 25 : i32
    %scan3A_15 = arith.addi %scan3A_13, %scan3A_14 : i32
    %scan3A_16 = arith.constant 1 : i32
    scf.for %scan3A_18 = %scan3A_13 to %scan3A_15 step %scan3A_16  : i32 {
      %mul3A_19 = arith.constant 2 : i32
      %mul3A_20 = arith.muli %mul3A_19, %scan3A_18 : i32
      %add3A_21 = arith.constant 0 : i32
      %add3A_22 = arith.addi %mul3A_20, %add3A_21 : i32
      %add3A_23 = arith.constant 1 : i32
      %add3A_24 = arith.addi %add3A_22, %add3A_23 : i32
      %lt3A = arith.constant 50 : i32
      %lt3A_25 = arith.cmpi slt, %add3A_24, %lt3A : i32
      %convert_element_type3A = arith.extui %lt3A_25 : i1 to i32
      %cond3A = arith.constant 0 : i32
      %cond3A_26 = arith.cmpi ne, %convert_element_type3A, %cond3A : i32
      scf.if %cond3A_26 {
        %add3A_48 = arith.constant 1 : i32
        %add3A_49 = arith.addi %add3A_22, %add3A_48 : i32
        %mul3A_50 = arith.constant 640 : i32
        %mul3A_51 = arith.muli %add3A_49, %mul3A_50 : i32
        %multiple_of3A_52 = tpu.assume_multiple %mul3A_51, 8 : i32
        %dma_start3A_53 = arith.constant 1 : i32
        %dma_start3A_54 = arith.constant 0 : i32
        %dma_start3A_55 = arith.constant 0 : i32
        %dma_start3A_56 = tpu.memref_slice %arg6[%dma_start3A_53, %dma_start3A_54, %dma_start3A_55] : memref<2x640x32xi32, #tpu.memory_space<vmem>> -> memref<1x640x32xi32, #tpu.memory_space<vmem>>
        %dma_start3A_57 = tpu.memref_squeeze %dma_start3A_56 : memref<1x640x32xi32, #tpu.memory_space<vmem>> -> memref<640x32xi32, #tpu.memory_space<vmem>>
        %dma_start3A_58 = tpu.memref_slice %arg5[%multiple_of3A_52] : memref<32000xi32, #tpu.memory_space<vmem>> -> memref<640xi32, #tpu.memory_space<vmem>>
        %dma_start3A_59 = arith.constant 0 : i32
        %dma_start3A_60 = arith.constant 0 : i32
        %dma_start3A_61 = tpu.memref_slice %arg2[%dma_start3A_59, %dma_start3A_60] : memref<1000000x32xi32, #tpu.memory_space<hbm>> -> memref<1000000x32xi32, #tpu.memory_space<hbm>>
        tpu.enqueue_indirect_dma source(%dma_start3A_61 : memref<1000000x32xi32, #tpu.memory_space<hbm>>) target(%dma_start3A_57 : memref<640x32xi32, #tpu.memory_space<vmem>>) offsets(%dma_start3A_58 : memref<640xi32, #tpu.memory_space<vmem>>) semaphore(%arg8 : memref<!tpu.dma_semaphore, #tpu.memory_space<semaphore_mem>>)
      } else {
      }
      %lt3A_27 = arith.constant 50 : i32
      %lt3A_28 = arith.cmpi slt, %add3A_22, %lt3A_27 : i32
      %convert_element_type3A_29 = arith.extui %lt3A_28 : i1 to i32
      %cond3A_30 = arith.constant 0 : i32
      %cond3A_31 = arith.cmpi ne, %convert_element_type3A_29, %cond3A_30 : i32
      scf.if %cond3A_31 {
        %mul3A_48 = arith.constant 640 : i32
        %mul3A_49 = arith.muli %add3A_22, %mul3A_48 : i32
        %multiple_of3A_50 = tpu.assume_multiple %mul3A_49, 8 : i32
        %dma_wait3A = arith.constant 0 : i32
        %dma_wait3A_51 = arith.constant 0 : i32
        %dma_wait3A_52 = arith.constant 0 : i32
        %dma_wait3A_53 = tpu.memref_slice %arg6[%dma_wait3A, %dma_wait3A_51, %dma_wait3A_52] : memref<2x640x32xi32, #tpu.memory_space<vmem>> -> memref<1x640x32xi32, #tpu.memory_space<vmem>>
        %dma_wait3A_54 = tpu.memref_squeeze %dma_wait3A_53 : memref<1x640x32xi32, #tpu.memory_space<vmem>> -> memref<640x32xi32, #tpu.memory_space<vmem>>
        %dma_wait3A_55 = tpu.memref_slice %arg5[%multiple_of3A_50] : memref<32000xi32, #tpu.memory_space<vmem>> -> memref<640xi32, #tpu.memory_space<vmem>>
        %dma_wait3A_56 = arith.constant 0 : i32
        %dma_wait3A_57 = arith.constant 0 : i32
        %dma_wait3A_58 = tpu.memref_slice %arg2[%dma_wait3A_56, %dma_wait3A_57] : memref<1000000x32xi32, #tpu.memory_space<hbm>> -> memref<1000000x32xi32, #tpu.memory_space<hbm>>
        tpu.wait_indirect_dma semaphore(%arg7 : memref<!tpu.dma_semaphore, #tpu.memory_space<semaphore_mem>>) src(%dma_wait3A_58 : memref<1000000x32xi32, #tpu.memory_space<hbm>>) dst(%dma_wait3A_54 : memref<640x32xi32, #tpu.memory_space<vmem>>)
        %mul3A_59 = arith.constant 640 : i32
        %mul3A_60 = arith.muli %add3A_22, %mul3A_59 : i32
        %add3A_61 = arith.addi %multiple_of3A, %mul3A_60 : i32
        %multiple_of3A_62 = tpu.assume_multiple %add3A_61, 8 : i32
        %run_scoped3A = arith.constant 0 : i32
        "tpu.region"() ({
          %run_scoped3A_63 = tpu.sem_alloc : memref<!tpu.dma_semaphore, #tpu.memory_space<semaphore_mem>>
          %dma_start3A_64 = arith.constant 0 : i32
          %dma_start3A_65 = arith.constant 0 : i32
          %dma_start3A_66 = tpu.memref_slice %arg6[%run_scoped3A, %dma_start3A_64, %dma_start3A_65] : memref<2x640x32xi32, #tpu.memory_space<vmem>> -> memref<1x640x32xi32, #tpu.memory_space<vmem>>
          %dma_start3A_67 = tpu.memref_squeeze %dma_start3A_66 : memref<1x640x32xi32, #tpu.memory_space<vmem>> -> memref<640x32xi32, #tpu.memory_space<vmem>>
          %dma_start3A_68 = arith.constant 0 : i32
          %dma_start3A_69 = tpu.memref_slice %arg4[%multiple_of3A_62, %dma_start3A_68] : memref<1024000x32xi32, #tpu.memory_space<hbm>> -> memref<640x32xi32, #tpu.memory_space<hbm>>
          %dma_start3A_70 = arith.constant 0 : i32
          %dma_start3A_71 = tpu.memref_slice %arg4[%multiple_of3A_62, %dma_start3A_70] : memref<1024000x32xi32, #tpu.memory_space<hbm>> -> memref<640x32xi32, #tpu.memory_space<hbm>>
          %dma_start3A_72 = arith.constant 0 : i32
          %dma_start3A_73 = arith.constant 0 : i32
          %dma_start3A_74 = tpu.memref_slice %arg6[%run_scoped3A, %dma_start3A_72, %dma_start3A_73] : memref<2x640x32xi32, #tpu.memory_space<vmem>> -> memref<1x640x32xi32, #tpu.memory_space<vmem>>
          %dma_start3A_75 = tpu.memref_squeeze %dma_start3A_74 : memref<1x640x32xi32, #tpu.memory_space<vmem>> -> memref<640x32xi32, #tpu.memory_space<vmem>>
          tpu.enqueue_dma source(%dma_start3A_75 : memref<640x32xi32, #tpu.memory_space<vmem>>) target(%dma_start3A_71 : memref<640x32xi32, #tpu.memory_space<hbm>>) target_semaphore(%run_scoped3A_63 : memref<!tpu.dma_semaphore, #tpu.memory_space<semaphore_mem>>)
          %dma_wait3A_76 = arith.constant 0 : i32
          %dma_wait3A_77 = arith.constant 0 : i32
          %dma_wait3A_78 = tpu.memref_slice %arg6[%run_scoped3A, %dma_wait3A_76, %dma_wait3A_77] : memref<2x640x32xi32, #tpu.memory_space<vmem>> -> memref<1x640x32xi32, #tpu.memory_space<vmem>>
          %dma_wait3A_79 = tpu.memref_squeeze %dma_wait3A_78 : memref<1x640x32xi32, #tpu.memory_space<vmem>> -> memref<640x32xi32, #tpu.memory_space<vmem>>
          %dma_wait3A_80 = arith.constant 0 : i32
          %dma_wait3A_81 = tpu.memref_slice %arg4[%multiple_of3A_62, %dma_wait3A_80] : memref<1024000x32xi32, #tpu.memory_space<hbm>> -> memref<640x32xi32, #tpu.memory_space<hbm>>
          %dma_wait3A_82 = arith.constant 0 : i32
          %dma_wait3A_83 = tpu.memref_slice %arg4[%multiple_of3A_62, %dma_wait3A_82] : memref<1024000x32xi32, #tpu.memory_space<hbm>> -> memref<640x32xi32, #tpu.memory_space<hbm>>
          %dma_wait3A_84 = arith.constant 0 : i32
          %dma_wait3A_85 = arith.constant 0 : i32
          %dma_wait3A_86 = tpu.memref_slice %arg6[%run_scoped3A, %dma_wait3A_84, %dma_wait3A_85] : memref<2x640x32xi32, #tpu.memory_space<vmem>> -> memref<1x640x32xi32, #tpu.memory_space<vmem>>
          %dma_wait3A_87 = tpu.memref_squeeze %dma_wait3A_86 : memref<1x640x32xi32, #tpu.memory_space<vmem>> -> memref<640x32xi32, #tpu.memory_space<vmem>>
          tpu.wait_dma2 semaphore(%run_scoped3A_63 : memref<!tpu.dma_semaphore, #tpu.memory_space<semaphore_mem>>) src(%dma_wait3A_87 : memref<640x32xi32, #tpu.memory_space<vmem>>) dst(%dma_wait3A_83 : memref<640x32xi32, #tpu.memory_space<hbm>>)
          tpu.yield
        }) : () -> ()
      } else {
      }
      %mul3A_32 = arith.constant 2 : i32
      %mul3A_33 = arith.muli %mul3A_32, %scan3A_18 : i32
      %add3A_34 = arith.constant 1 : i32
      %add3A_35 = arith.addi %mul3A_33, %add3A_34 : i32
      %add3A_36 = arith.constant 1 : i32
      %add3A_37 = arith.addi %add3A_35, %add3A_36 : i32
      %lt3A_38 = arith.constant 50 : i32
      %lt3A_39 = arith.cmpi slt, %add3A_37, %lt3A_38 : i32
      %convert_element_type3A_40 = arith.extui %lt3A_39 : i1 to i32
      %cond3A_41 = arith.constant 0 : i32
      %cond3A_42 = arith.cmpi ne, %convert_element_type3A_40, %cond3A_41 : i32
      scf.if %cond3A_42 {
        %add3A_48 = arith.constant 1 : i32
        %add3A_49 = arith.addi %add3A_35, %add3A_48 : i32
        %mul3A_50 = arith.constant 640 : i32
        %mul3A_51 = arith.muli %add3A_49, %mul3A_50 : i32
        %multiple_of3A_52 = tpu.assume_multiple %mul3A_51, 8 : i32
        %dma_start3A_53 = arith.constant 0 : i32
        %dma_start3A_54 = arith.constant 0 : i32
        %dma_start3A_55 = arith.constant 0 : i32
        %dma_start3A_56 = tpu.memref_slice %arg6[%dma_start3A_53, %dma_start3A_54, %dma_start3A_55] : memref<2x640x32xi32, #tpu.memory_space<vmem>> -> memref<1x640x32xi32, #tpu.memory_space<vmem>>
        %dma_start3A_57 = tpu.memref_squeeze %dma_start3A_56 : memref<1x640x32xi32, #tpu.memory_space<vmem>> -> memref<640x32xi32, #tpu.memory_space<vmem>>
        %dma_start3A_58 = tpu.memref_slice %arg5[%multiple_of3A_52] : memref<32000xi32, #tpu.memory_space<vmem>> -> memref<640xi32, #tpu.memory_space<vmem>>
        %dma_start3A_59 = arith.constant 0 : i32
        %dma_start3A_60 = arith.constant 0 : i32
        %dma_start3A_61 = tpu.memref_slice %arg2[%dma_start3A_59, %dma_start3A_60] : memref<1000000x32xi32, #tpu.memory_space<hbm>> -> memref<1000000x32xi32, #tpu.memory_space<hbm>>
        tpu.enqueue_indirect_dma source(%dma_start3A_61 : memref<1000000x32xi32, #tpu.memory_space<hbm>>) target(%dma_start3A_57 : memref<640x32xi32, #tpu.memory_space<vmem>>) offsets(%dma_start3A_58 : memref<640xi32, #tpu.memory_space<vmem>>) semaphore(%arg7 : memref<!tpu.dma_semaphore, #tpu.memory_space<semaphore_mem>>)
      } else {
      }
      %lt3A_43 = arith.constant 50 : i32
      %lt3A_44 = arith.cmpi slt, %add3A_35, %lt3A_43 : i32
      %convert_element_type3A_45 = arith.extui %lt3A_44 : i1 to i32
      %cond3A_46 = arith.constant 0 : i32
      %cond3A_47 = arith.cmpi ne, %convert_element_type3A_45, %cond3A_46 : i32
      scf.if %cond3A_47 {
        %mul3A_48 = arith.constant 640 : i32
        %mul3A_49 = arith.muli %add3A_35, %mul3A_48 : i32
        %multiple_of3A_50 = tpu.assume_multiple %mul3A_49, 8 : i32
        %dma_wait3A = arith.constant 1 : i32
        %dma_wait3A_51 = arith.constant 0 : i32
        %dma_wait3A_52 = arith.constant 0 : i32
        %dma_wait3A_53 = tpu.memref_slice %arg6[%dma_wait3A, %dma_wait3A_51, %dma_wait3A_52] : memref<2x640x32xi32, #tpu.memory_space<vmem>> -> memref<1x640x32xi32, #tpu.memory_space<vmem>>
        %dma_wait3A_54 = tpu.memref_squeeze %dma_wait3A_53 : memref<1x640x32xi32, #tpu.memory_space<vmem>> -> memref<640x32xi32, #tpu.memory_space<vmem>>
        %dma_wait3A_55 = tpu.memref_slice %arg5[%multiple_of3A_50] : memref<32000xi32, #tpu.memory_space<vmem>> -> memref<640xi32, #tpu.memory_space<vmem>>
        %dma_wait3A_56 = arith.constant 0 : i32
        %dma_wait3A_57 = arith.constant 0 : i32
        %dma_wait3A_58 = tpu.memref_slice %arg2[%dma_wait3A_56, %dma_wait3A_57] : memref<1000000x32xi32, #tpu.memory_space<hbm>> -> memref<1000000x32xi32, #tpu.memory_space<hbm>>
        tpu.wait_indirect_dma semaphore(%arg8 : memref<!tpu.dma_semaphore, #tpu.memory_space<semaphore_mem>>) src(%dma_wait3A_58 : memref<1000000x32xi32, #tpu.memory_space<hbm>>) dst(%dma_wait3A_54 : memref<640x32xi32, #tpu.memory_space<vmem>>)
        %mul3A_59 = arith.constant 640 : i32
        %mul3A_60 = arith.muli %add3A_35, %mul3A_59 : i32
        %add3A_61 = arith.addi %multiple_of3A, %mul3A_60 : i32
        %multiple_of3A_62 = tpu.assume_multiple %add3A_61, 8 : i32
        %run_scoped3A = arith.constant 1 : i32
        "tpu.region"() ({
          %run_scoped3A_63 = tpu.sem_alloc : memref<!tpu.dma_semaphore, #tpu.memory_space<semaphore_mem>>
          %dma_start3A_64 = arith.constant 0 : i32
          %dma_start3A_65 = arith.constant 0 : i32
          %dma_start3A_66 = tpu.memref_slice %arg6[%run_scoped3A, %dma_start3A_64, %dma_start3A_65] : memref<2x640x32xi32, #tpu.memory_space<vmem>> -> memref<1x640x32xi32, #tpu.memory_space<vmem>>
          %dma_start3A_67 = tpu.memref_squeeze %dma_start3A_66 : memref<1x640x32xi32, #tpu.memory_space<vmem>> -> memref<640x32xi32, #tpu.memory_space<vmem>>
          %dma_start3A_68 = arith.constant 0 : i32
          %dma_start3A_69 = tpu.memref_slice %arg4[%multiple_of3A_62, %dma_start3A_68] : memref<1024000x32xi32, #tpu.memory_space<hbm>> -> memref<640x32xi32, #tpu.memory_space<hbm>>
          %dma_start3A_70 = arith.constant 0 : i32
          %dma_start3A_71 = tpu.memref_slice %arg4[%multiple_of3A_62, %dma_start3A_70] : memref<1024000x32xi32, #tpu.memory_space<hbm>> -> memref<640x32xi32, #tpu.memory_space<hbm>>
          %dma_start3A_72 = arith.constant 0 : i32
          %dma_start3A_73 = arith.constant 0 : i32
          %dma_start3A_74 = tpu.memref_slice %arg6[%run_scoped3A, %dma_start3A_72, %dma_start3A_73] : memref<2x640x32xi32, #tpu.memory_space<vmem>> -> memref<1x640x32xi32, #tpu.memory_space<vmem>>
          %dma_start3A_75 = tpu.memref_squeeze %dma_start3A_74 : memref<1x640x32xi32, #tpu.memory_space<vmem>> -> memref<640x32xi32, #tpu.memory_space<vmem>>
          tpu.enqueue_dma source(%dma_start3A_75 : memref<640x32xi32, #tpu.memory_space<vmem>>) target(%dma_start3A_71 : memref<640x32xi32, #tpu.memory_space<hbm>>) target_semaphore(%run_scoped3A_63 : memref<!tpu.dma_semaphore, #tpu.memory_space<semaphore_mem>>)
          %dma_wait3A_76 = arith.constant 0 : i32
          %dma_wait3A_77 = arith.constant 0 : i32
          %dma_wait3A_78 = tpu.memref_slice %arg6[%run_scoped3A, %dma_wait3A_76, %dma_wait3A_77] : memref<2x640x32xi32, #tpu.memory_space<vmem>> -> memref<1x640x32xi32, #tpu.memory_space<vmem>>
          %dma_wait3A_79 = tpu.memref_squeeze %dma_wait3A_78 : memref<1x640x32xi32, #tpu.memory_space<vmem>> -> memref<640x32xi32, #tpu.memory_space<vmem>>
          %dma_wait3A_80 = arith.constant 0 : i32
          %dma_wait3A_81 = tpu.memref_slice %arg4[%multiple_of3A_62, %dma_wait3A_80] : memref<1024000x32xi32, #tpu.memory_space<hbm>> -> memref<640x32xi32, #tpu.memory_space<hbm>>
          %dma_wait3A_82 = arith.constant 0 : i32
          %dma_wait3A_83 = tpu.memref_slice %arg4[%multiple_of3A_62, %dma_wait3A_82] : memref<1024000x32xi32, #tpu.memory_space<hbm>> -> memref<640x32xi32, #tpu.memory_space<hbm>>
          %dma_wait3A_84 = arith.constant 0 : i32
          %dma_wait3A_85 = arith.constant 0 : i32
          %dma_wait3A_86 = tpu.memref_slice %arg6[%run_scoped3A, %dma_wait3A_84, %dma_wait3A_85] : memref<2x640x32xi32, #tpu.memory_space<vmem>> -> memref<1x640x32xi32, #tpu.memory_space<vmem>>
          %dma_wait3A_87 = tpu.memref_squeeze %dma_wait3A_86 : memref<1x640x32xi32, #tpu.memory_space<vmem>> -> memref<640x32xi32, #tpu.memory_space<vmem>>
          tpu.wait_dma2 semaphore(%run_scoped3A_63 : memref<!tpu.dma_semaphore, #tpu.memory_space<semaphore_mem>>) src(%dma_wait3A_87 : memref<640x32xi32, #tpu.memory_space<vmem>>) dst(%dma_wait3A_83 : memref<640x32xi32, #tpu.memory_space<hbm>>)
          tpu.yield
        }) : () -> ()
      } else {
      }
    }
    %scan3A_17 = arith.constant 25 : i32
    return
  }
}

module attributes {stable_mosaic.version = 14 : i64} {
  func.func @_transpose_body(%arg0: i32, %arg1: memref<64x16384xf32, #tpu.memory_space<vmem>>, %arg2: memref<16384x32xi32, #tpu.memory_space<vmem>>) attributes {dimension_semantics = [#tpu.dimension_semantics<arbitrary>], iteration_bounds = array<i64: 62>, scalar_prefetch = 0 : i64, scratch_operands = 0 : i64, tpu.core_type = #tpu.core_type<tc>, window_params = [{transform_indices = @transform_0, window_bounds = array<i64: 64, 16384>}, {transform_indices = @transform_1, window_bounds = array<i64: 16384, 32>}]} {
    %get3A = arith.constant 0 : index
    %get3A_0 = arith.constant 0 : index
    %get3A_1 = vector.load %arg1[%get3A, %get3A_0] : memref<64x16384xf32, #tpu.memory_space<vmem>>, vector<64x16384xf32>
    %bitcast_convert_type3A = tpu.bitcast %get3A_1 : vector<64x16384xf32> -> vector<64x16384xi32>
    %add3A = arith.constant 32767 : i32
    %add3A_2 = vector.broadcast %add3A : i32 to vector<64x16384xi32>
    %add3A_3 = arith.addi %bitcast_convert_type3A, %add3A_2 : vector<64x16384xi32>
    %shift_right_logical3A = arith.constant 16 : i32
    %shift_right_logical3A_4 = vector.broadcast %shift_right_logical3A : i32 to vector<64x16384xi32>
    %shift_right_logical3A_5 = arith.shrui %bitcast_convert_type3A, %shift_right_logical3A_4 : vector<64x16384xi32>
    %and3A = arith.constant 1 : i32
    %and3A_6 = vector.broadcast %and3A : i32 to vector<64x16384xi32>
    %and3A_7 = arith.andi %shift_right_logical3A_5, %and3A_6 : vector<64x16384xi32>
    %add3A_8 = arith.addi %add3A_3, %and3A_7 : vector<64x16384xi32>
    %shift_right_logical3A_9 = arith.constant 16 : i32
    %shift_right_logical3A_10 = vector.broadcast %shift_right_logical3A_9 : i32 to vector<64x16384xi32>
    %shift_right_logical3A_11 = arith.shrui %add3A_8, %shift_right_logical3A_10 : vector<64x16384xi32>
    %slice3A = vector.extract_strided_slice %shift_right_logical3A_11 {offsets = [32, 0], sizes = [32, 16384], strides = [1, 1]} : vector<64x16384xi32> to vector<32x16384xi32>
    %shift_left3A = arith.constant 16 : i32
    %shift_left3A_12 = vector.broadcast %shift_left3A : i32 to vector<32x16384xi32>
    %shift_left3A_13 = arith.shli %slice3A, %shift_left3A_12 : vector<32x16384xi32>
    %slice3A_14 = vector.extract_strided_slice %shift_right_logical3A_11 {offsets = [0, 0], sizes = [32, 16384], strides = [1, 1]} : vector<64x16384xi32> to vector<32x16384xi32>
    %or3A = arith.ori %shift_left3A_13, %slice3A_14 : vector<32x16384xi32>
    %transpose3A = tpu.transpose %or3A, [1, 0] : vector<32x16384xi32> -> vector<16384x32xi32>
    %swap3A = arith.constant 0 : index
    %swap3A_15 = arith.constant 0 : index
    %swap3A_16 = vector.load %arg2[%swap3A, %swap3A_15] : memref<16384x32xi32, #tpu.memory_space<vmem>>, vector<16384x32xi32>
    tpu.vector_store %arg2[%swap3A, %swap3A_15], %transpose3A {strides = array<i32>} : memref<16384x32xi32, #tpu.memory_space<vmem>>, vector<16384x32xi32>,
    return
  }
  func.func @transform_0(%arg0: i32) -> (i32, i32) {
    %c0_i32 = arith.constant 0 : i32
    %c0_i32_0 = arith.constant 0 : i32
    return %c0_i32, %arg0 : i32, i32
  }
  func.func @transform_1(%arg0: i32) -> (i32, i32) {
    %c0_i32 = arith.constant 0 : i32
    %c0_i32_0 = arith.constant 0 : i32
    return %arg0, %c0_i32 : i32, i32
  }
}

module attributes {stable_mosaic.version = 14 : i64} {
  func.func @_loss_body(%arg0: i32, %arg1: memref<3200x32xi32, #tpu.memory_space<vmem>>, %arg2: memref<3200x32xi32, #tpu.memory_space<vmem>>, %arg3: memref<3200x32xi32, #tpu.memory_space<vmem>>, %arg4: memref<3200x32xi32, #tpu.memory_space<vmem>>, %arg5: memref<3200x32xi32, #tpu.memory_space<vmem>>, %arg6: memref<1x1xf32, #tpu.memory_space<vmem>>) attributes {dimension_semantics = [#tpu.dimension_semantics<arbitrary>], iteration_bounds = array<i64: 64>, scalar_prefetch = 0 : i64, scratch_operands = 0 : i64, tpu.core_type = #tpu.core_type<tc>, window_params = [{transform_indices = @transform_0, window_bounds = array<i64: 3200, 32>}, {transform_indices = @transform_1, window_bounds = array<i64: 3200, 32>}, {transform_indices = @transform_2, window_bounds = array<i64: 3200, 32>}, {transform_indices = @transform_3, window_bounds = array<i64: 3200, 32>}, {transform_indices = @transform_4, window_bounds = array<i64: 3200, 32>}, {pipeline_mode = #tpu.pipeline_mode<synchronous>, transform_indices = @transform_5, window_bounds = array<i64: 1, 1>}]} {
    %get3A = arith.constant 0 : index
    %get3A_0 = arith.constant 0 : index
    %get3A_1 = vector.load %arg1[%get3A, %get3A_0] : memref<3200x32xi32, #tpu.memory_space<vmem>>, vector<3200x32xi32>
    %shift_left3A = arith.constant 16 : i32
    %shift_left3A_2 = vector.broadcast %shift_left3A : i32 to vector<3200x32xi32>
    %shift_left3A_3 = arith.shli %get3A_1, %shift_left3A_2 : vector<3200x32xi32>
    %bitcast_convert_type3A = tpu.bitcast %shift_left3A_3 : vector<3200x32xi32> -> vector<3200x32xf32>
    %and3A = arith.constant -65536 : i32
    %and3A_4 = vector.broadcast %and3A : i32 to vector<3200x32xi32>
    %and3A_5 = arith.andi %get3A_1, %and3A_4 : vector<3200x32xi32>
    %bitcast_convert_type3A_6 = tpu.bitcast %and3A_5 : vector<3200x32xi32> -> vector<3200x32xf32>
    %broadcast_in_dim3A = arith.constant 1.000000e+00 : f32
    %broadcast_in_dim3A_7 = vector.broadcast %broadcast_in_dim3A : f32 to vector<1x32xf32>
    %slice3A = vector.extract_strided_slice %bitcast_convert_type3A {offsets = [0, 0], sizes = [3199, 32], strides = [1, 1]} : vector<3200x32xf32> to vector<3199x32xf32>
    %slice3A_8 = vector.extract_strided_slice %bitcast_convert_type3A {offsets = [1, 0], sizes = [3199, 32], strides = [1, 1]} : vector<3200x32xf32> to vector<3199x32xf32>
    %mul3A = arith.mulf %slice3A, %slice3A_8 : vector<3199x32xf32>
    %slice3A_9 = vector.extract_strided_slice %bitcast_convert_type3A_6 {offsets = [0, 0], sizes = [3199, 32], strides = [1, 1]} : vector<3200x32xf32> to vector<3199x32xf32>
    %slice3A_10 = vector.extract_strided_slice %bitcast_convert_type3A_6 {offsets = [1, 0], sizes = [3199, 32], strides = [1, 1]} : vector<3200x32xf32> to vector<3199x32xf32>
    %mul3A_11 = arith.mulf %slice3A_9, %slice3A_10 : vector<3199x32xf32>
    %add3A = arith.addf %mul3A, %mul3A_11 : vector<3199x32xf32>
    %dot_general3A = arith.constant dense<0.000000e+00> : vector<1x3199xf32>
    %dot_general3A_12 = tpu.matmul %broadcast_in_dim3A_7, %add3A, %dot_general3A {dimension_numbers = #tpu.dot_dimension_numbers<[1], [1], [0], [0], [0, 0, 1, 0], [], []>, transpose_lhs_hint = false} : vector<1x32xf32>, vector<3199x32xf32>, vector<1x3199xf32> -> vector<1x3199xf32>
    %iota3A = tpu.iota {dimensions = array<i32: 1>} : vector<1x3199xi32>
    %jit3A = arith.constant 50 : i32
    %eq3A = arith.constant 0 : i32
    %eq3A_13 = arith.cmpi eq, %jit3A, %eq3A : i32
    %jit3A_14 = arith.constant 1 : i32
    %select_n3A = arith.select %eq3A_13, %jit3A_14, %jit3A : i32
    %rem3A = vector.broadcast %select_n3A : i32 to vector<1x3199xi32>
    %rem3A_15 = arith.remsi %iota3A, %rem3A : vector<1x3199xi32>
    %ne3A = arith.constant 0 : i32
    %ne3A_16 = vector.broadcast %ne3A : i32 to vector<1x3199xi32>
    %ne3A_17 = arith.cmpi ne, %rem3A_15, %ne3A_16 : vector<1x3199xi32>
    %lt3A = arith.constant 0 : i32
    %lt3A_18 = vector.broadcast %lt3A : i32 to vector<1x3199xi32>
    %lt3A_19 = arith.cmpi slt, %rem3A_15, %lt3A_18 : vector<1x3199xi32>
    %lt3A_20 = arith.constant 0 : i32
    %lt3A_21 = arith.cmpi slt, %select_n3A, %lt3A_20 : i32
    %ne3A_22 = vector.broadcast %lt3A_21 : i1 to vector<1x3199xi1>
    %ne3A_23 = vector.broadcast %ne3A_22 : vector<1x3199xi1> to vector<1x3199xi1>
    %ne3A_24 = arith.xori %lt3A_19, %ne3A_23 : vector<1x3199xi1>
    %and3A_25 = arith.andi %ne3A_24, %ne3A_17 : vector<1x3199xi1>
    %add3A_26 = vector.broadcast %select_n3A : i32 to vector<1x3199xi32>
    %add3A_27 = arith.addi %rem3A_15, %add3A_26 : vector<1x3199xi32>
    %select_n3A_28 = arith.select %and3A_25, %add3A_27, %rem3A_15 : vector<1x3199xi1>, vector<1x3199xi32>
    %neg3A = arith.constant 0.000000e+00 : f32
    %neg3A_29 = vector.broadcast %neg3A : f32 to vector<1x3199xf32>
    %neg3A_30 = arith.subf %neg3A_29, %dot_general3A_12 : vector<1x3199xf32>
    %lt3A_31 = arith.constant 46 : i32
    %lt3A_32 = vector.broadcast %lt3A_31 : i32 to vector<1x3199xi32>
    %lt3A_33 = arith.cmpi slt, %select_n3A_28, %lt3A_32 : vector<1x3199xi32>
    %max3A = arith.constant 0.000000e+00 : f32
    %max3A_34 = vector.broadcast %max3A : f32 to vector<1x3199xf32>
    %max3A_35 = arith.maximumf %neg3A_30, %max3A_34 : vector<1x3199xf32>
    %abs3A = math.absf %neg3A_30 : vector<1x3199xf32>
    %neg3A_36 = arith.constant 0.000000e+00 : f32
    %neg3A_37 = vector.broadcast %neg3A_36 : f32 to vector<1x3199xf32>
    %neg3A_38 = arith.subf %neg3A_37, %abs3A : vector<1x3199xf32>
    %exp3A = math.exp %neg3A_38 : vector<1x3199xf32>
    %log1p3A = math.log1p %exp3A : vector<1x3199xf32>
    %add3A_39 = arith.addf %max3A_35, %log1p3A : vector<1x3199xf32>
    %jit3A_40 = arith.constant 0.000000e+00 : f32
    %broadcast_in_dim3A_41 = vector.broadcast %jit3A_40 : f32 to vector<1x3199xf32>
    %select_n3A_42 = arith.select %lt3A_33, %add3A_39, %broadcast_in_dim3A_41 : vector<1x3199xi1>, vector<1x3199xf32>
    %reduce_sum3A = vector.shape_cast %select_n3A_42 : vector<1x3199xf32> to vector<1x1x3199xf32>
    %reduce_sum3A_43 = arith.constant dense<0.000000e+00> : vector<1xf32>
    %reduce_sum3A_44 = vector.multi_reduction <add>, %reduce_sum3A, %reduce_sum3A_43 [1, 2] : vector<1x1x3199xf32> to vector<1xf32>
    %reduce_sum3A_45 = vector.shape_cast %reduce_sum3A_44 : vector<1xf32> to vector<1x1x1xf32>
    %reduce_sum3A_46 = vector.extract %reduce_sum3A_45[0, 0, 0] : f32 from vector<1x1x1xf32>
    %add3A_47 = arith.constant 0.000000e+00 : f32
    %add3A_48 = arith.addf %add3A_47, %reduce_sum3A_46 : f32
    %slice3A_49 = vector.extract_strided_slice %bitcast_convert_type3A {offsets = [0, 0], sizes = [3198, 32], strides = [1, 1]} : vector<3200x32xf32> to vector<3198x32xf32>
    %slice3A_50 = vector.extract_strided_slice %bitcast_convert_type3A {offsets = [2, 0], sizes = [3198, 32], strides = [1, 1]} : vector<3200x32xf32> to vector<3198x32xf32>
    %mul3A_51 = arith.mulf %slice3A_49, %slice3A_50 : vector<3198x32xf32>
    %slice3A_52 = vector.extract_strided_slice %bitcast_convert_type3A_6 {offsets = [0, 0], sizes = [3198, 32], strides = [1, 1]} : vector<3200x32xf32> to vector<3198x32xf32>
    %slice3A_53 = vector.extract_strided_slice %bitcast_convert_type3A_6 {offsets = [2, 0], sizes = [3198, 32], strides = [1, 1]} : vector<3200x32xf32> to vector<3198x32xf32>
    %mul3A_54 = arith.mulf %slice3A_52, %slice3A_53 : vector<3198x32xf32>
    %add3A_55 = arith.addf %mul3A_51, %mul3A_54 : vector<3198x32xf32>
    %dot_general3A_56 = arith.constant dense<0.000000e+00> : vector<1x3198xf32>
    %dot_general3A_57 = tpu.matmul %broadcast_in_dim3A_7, %add3A_55, %dot_general3A_56 {dimension_numbers = #tpu.dot_dimension_numbers<[1], [1], [0], [0], [0, 0, 1, 0], [], []>, transpose_lhs_hint = false} : vector<1x32xf32>, vector<3198x32xf32>, vector<1x3198xf32> -> vector<1x3198xf32>
    %iota3A_58 = tpu.iota {dimensions = array<i32: 1>} : vector<1x3198xi32>
    %jit3A_59 = arith.constant 50 : i32
    %eq3A_60 = arith.constant 0 : i32
    %eq3A_61 = arith.cmpi eq, %jit3A_59, %eq3A_60 : i32
    %jit3A_62 = arith.constant 1 : i32
    %select_n3A_63 = arith.select %eq3A_61, %jit3A_62, %jit3A_59 : i32
    %rem3A_64 = vector.broadcast %select_n3A_63 : i32 to vector<1x3198xi32>
    %rem3A_65 = arith.remsi %iota3A_58, %rem3A_64 : vector<1x3198xi32>
    %ne3A_66 = arith.constant 0 : i32
    %ne3A_67 = vector.broadcast %ne3A_66 : i32 to vector<1x3198xi32>
    %ne3A_68 = arith.cmpi ne, %rem3A_65, %ne3A_67 : vector<1x3198xi32>
    %lt3A_69 = arith.constant 0 : i32
    %lt3A_70 = vector.broadcast %lt3A_69 : i32 to vector<1x3198xi32>
    %lt3A_71 = arith.cmpi slt, %rem3A_65, %lt3A_70 : vector<1x3198xi32>
    %lt3A_72 = arith.constant 0 : i32
    %lt3A_73 = arith.cmpi slt, %select_n3A_63, %lt3A_72 : i32
    %ne3A_74 = vector.broadcast %lt3A_73 : i1 to vector<1x3198xi1>
    %ne3A_75 = vector.broadcast %ne3A_74 : vector<1x3198xi1> to vector<1x3198xi1>
    %ne3A_76 = arith.xori %lt3A_71, %ne3A_75 : vector<1x3198xi1>
    %and3A_77 = arith.andi %ne3A_76, %ne3A_68 : vector<1x3198xi1>
    %add3A_78 = vector.broadcast %select_n3A_63 : i32 to vector<1x3198xi32>
    %add3A_79 = arith.addi %rem3A_65, %add3A_78 : vector<1x3198xi32>
    %select_n3A_80 = arith.select %and3A_77, %add3A_79, %rem3A_65 : vector<1x3198xi1>, vector<1x3198xi32>
    %neg3A_81 = arith.constant 0.000000e+00 : f32
    %neg3A_82 = vector.broadcast %neg3A_81 : f32 to vector<1x3198xf32>
    %neg3A_83 = arith.subf %neg3A_82, %dot_general3A_57 : vector<1x3198xf32>
    %lt3A_84 = arith.constant 46 : i32
    %lt3A_85 = vector.broadcast %lt3A_84 : i32 to vector<1x3198xi32>
    %lt3A_86 = arith.cmpi slt, %select_n3A_80, %lt3A_85 : vector<1x3198xi32>
    %max3A_87 = arith.constant 0.000000e+00 : f32
    %max3A_88 = vector.broadcast %max3A_87 : f32 to vector<1x3198xf32>
    %max3A_89 = arith.maximumf %neg3A_83, %max3A_88 : vector<1x3198xf32>
    %abs3A_90 = math.absf %neg3A_83 : vector<1x3198xf32>
    %neg3A_91 = arith.constant 0.000000e+00 : f32
    %neg3A_92 = vector.broadcast %neg3A_91 : f32 to vector<1x3198xf32>
    %neg3A_93 = arith.subf %neg3A_92, %abs3A_90 : vector<1x3198xf32>
    %exp3A_94 = math.exp %neg3A_93 : vector<1x3198xf32>
    %log1p3A_95 = math.log1p %exp3A_94 : vector<1x3198xf32>
    %add3A_96 = arith.addf %max3A_89, %log1p3A_95 : vector<1x3198xf32>
    %jit3A_97 = arith.constant 0.000000e+00 : f32
    %broadcast_in_dim3A_98 = vector.broadcast %jit3A_97 : f32 to vector<1x3198xf32>
    %select_n3A_99 = arith.select %lt3A_86, %add3A_96, %broadcast_in_dim3A_98 : vector<1x3198xi1>, vector<1x3198xf32>
    %reduce_sum3A_100 = vector.shape_cast %select_n3A_99 : vector<1x3198xf32> to vector<1x1x3198xf32>
    %reduce_sum3A_101 = arith.constant dense<0.000000e+00> : vector<1xf32>
    %reduce_sum3A_102 = vector.multi_reduction <add>, %reduce_sum3A_100, %reduce_sum3A_101 [1, 2] : vector<1x1x3198xf32> to vector<1xf32>
    %reduce_sum3A_103 = vector.shape_cast %reduce_sum3A_102 : vector<1xf32> to vector<1x1x1xf32>
    %reduce_sum3A_104 = vector.extract %reduce_sum3A_103[0, 0, 0] : f32 from vector<1x1x1xf32>
    %add3A_105 = arith.addf %add3A_48, %reduce_sum3A_104 : f32
    %slice3A_106 = vector.extract_strided_slice %bitcast_convert_type3A {offsets = [0, 0], sizes = [3197, 32], strides = [1, 1]} : vector<3200x32xf32> to vector<3197x32xf32>
    %slice3A_107 = vector.extract_strided_slice %bitcast_convert_type3A {offsets = [3, 0], sizes = [3197, 32], strides = [1, 1]} : vector<3200x32xf32> to vector<3197x32xf32>
    %mul3A_108 = arith.mulf %slice3A_106, %slice3A_107 : vector<3197x32xf32>
    %slice3A_109 = vector.extract_strided_slice %bitcast_convert_type3A_6 {offsets = [0, 0], sizes = [3197, 32], strides = [1, 1]} : vector<3200x32xf32> to vector<3197x32xf32>
    %slice3A_110 = vector.extract_strided_slice %bitcast_convert_type3A_6 {offsets = [3, 0], sizes = [3197, 32], strides = [1, 1]} : vector<3200x32xf32> to vector<3197x32xf32>
    %mul3A_111 = arith.mulf %slice3A_109, %slice3A_110 : vector<3197x32xf32>
    %add3A_112 = arith.addf %mul3A_108, %mul3A_111 : vector<3197x32xf32>
    %dot_general3A_113 = arith.constant dense<0.000000e+00> : vector<1x3197xf32>
    %dot_general3A_114 = tpu.matmul %broadcast_in_dim3A_7, %add3A_112, %dot_general3A_113 {dimension_numbers = #tpu.dot_dimension_numbers<[1], [1], [0], [0], [0, 0, 1, 0], [], []>, transpose_lhs_hint = false} : vector<1x32xf32>, vector<3197x32xf32>, vector<1x3197xf32> -> vector<1x3197xf32>
    %iota3A_115 = tpu.iota {dimensions = array<i32: 1>} : vector<1x3197xi32>
    %jit3A_116 = arith.constant 50 : i32
    %eq3A_117 = arith.constant 0 : i32
    %eq3A_118 = arith.cmpi eq, %jit3A_116, %eq3A_117 : i32
    %jit3A_119 = arith.constant 1 : i32
    %select_n3A_120 = arith.select %eq3A_118, %jit3A_119, %jit3A_116 : i32
    %rem3A_121 = vector.broadcast %select_n3A_120 : i32 to vector<1x3197xi32>
    %rem3A_122 = arith.remsi %iota3A_115, %rem3A_121 : vector<1x3197xi32>
    %ne3A_123 = arith.constant 0 : i32
    %ne3A_124 = vector.broadcast %ne3A_123 : i32 to vector<1x3197xi32>
    %ne3A_125 = arith.cmpi ne, %rem3A_122, %ne3A_124 : vector<1x3197xi32>
    %lt3A_126 = arith.constant 0 : i32
    %lt3A_127 = vector.broadcast %lt3A_126 : i32 to vector<1x3197xi32>
    %lt3A_128 = arith.cmpi slt, %rem3A_122, %lt3A_127 : vector<1x3197xi32>
    %lt3A_129 = arith.constant 0 : i32
    %lt3A_130 = arith.cmpi slt, %select_n3A_120, %lt3A_129 : i32
    %ne3A_131 = vector.broadcast %lt3A_130 : i1 to vector<1x3197xi1>
    %ne3A_132 = vector.broadcast %ne3A_131 : vector<1x3197xi1> to vector<1x3197xi1>
    %ne3A_133 = arith.xori %lt3A_128, %ne3A_132 : vector<1x3197xi1>
    %and3A_134 = arith.andi %ne3A_133, %ne3A_125 : vector<1x3197xi1>
    %add3A_135 = vector.broadcast %select_n3A_120 : i32 to vector<1x3197xi32>
    %add3A_136 = arith.addi %rem3A_122, %add3A_135 : vector<1x3197xi32>
    %select_n3A_137 = arith.select %and3A_134, %add3A_136, %rem3A_122 : vector<1x3197xi1>, vector<1x3197xi32>
    %neg3A_138 = arith.constant 0.000000e+00 : f32
    %neg3A_139 = vector.broadcast %neg3A_138 : f32 to vector<1x3197xf32>
    %neg3A_140 = arith.subf %neg3A_139, %dot_general3A_114 : vector<1x3197xf32>
    %lt3A_141 = arith.constant 46 : i32
    %lt3A_142 = vector.broadcast %lt3A_141 : i32 to vector<1x3197xi32>
    %lt3A_143 = arith.cmpi slt, %select_n3A_137, %lt3A_142 : vector<1x3197xi32>
    %max3A_144 = arith.constant 0.000000e+00 : f32
    %max3A_145 = vector.broadcast %max3A_144 : f32 to vector<1x3197xf32>
    %max3A_146 = arith.maximumf %neg3A_140, %max3A_145 : vector<1x3197xf32>
    %abs3A_147 = math.absf %neg3A_140 : vector<1x3197xf32>
    %neg3A_148 = arith.constant 0.000000e+00 : f32
    %neg3A_149 = vector.broadcast %neg3A_148 : f32 to vector<1x3197xf32>
    %neg3A_150 = arith.subf %neg3A_149, %abs3A_147 : vector<1x3197xf32>
    %exp3A_151 = math.exp %neg3A_150 : vector<1x3197xf32>
    %log1p3A_152 = math.log1p %exp3A_151 : vector<1x3197xf32>
    %add3A_153 = arith.addf %max3A_146, %log1p3A_152 : vector<1x3197xf32>
    %jit3A_154 = arith.constant 0.000000e+00 : f32
    %broadcast_in_dim3A_155 = vector.broadcast %jit3A_154 : f32 to vector<1x3197xf32>
    %select_n3A_156 = arith.select %lt3A_143, %add3A_153, %broadcast_in_dim3A_155 : vector<1x3197xi1>, vector<1x3197xf32>
    %reduce_sum3A_157 = vector.shape_cast %select_n3A_156 : vector<1x3197xf32> to vector<1x1x3197xf32>
    %reduce_sum3A_158 = arith.constant dense<0.000000e+00> : vector<1xf32>
    %reduce_sum3A_159 = vector.multi_reduction <add>, %reduce_sum3A_157, %reduce_sum3A_158 [1, 2] : vector<1x1x3197xf32> to vector<1xf32>
    %reduce_sum3A_160 = vector.shape_cast %reduce_sum3A_159 : vector<1xf32> to vector<1x1x1xf32>
    %reduce_sum3A_161 = vector.extract %reduce_sum3A_160[0, 0, 0] : f32 from vector<1x1x1xf32>
    %add3A_162 = arith.addf %add3A_105, %reduce_sum3A_161 : f32
    %slice3A_163 = vector.extract_strided_slice %bitcast_convert_type3A {offsets = [0, 0], sizes = [3196, 32], strides = [1, 1]} : vector<3200x32xf32> to vector<3196x32xf32>
    %slice3A_164 = vector.extract_strided_slice %bitcast_convert_type3A {offsets = [4, 0], sizes = [3196, 32], strides = [1, 1]} : vector<3200x32xf32> to vector<3196x32xf32>
    %mul3A_165 = arith.mulf %slice3A_163, %slice3A_164 : vector<3196x32xf32>
    %slice3A_166 = vector.extract_strided_slice %bitcast_convert_type3A_6 {offsets = [0, 0], sizes = [3196, 32], strides = [1, 1]} : vector<3200x32xf32> to vector<3196x32xf32>
    %slice3A_167 = vector.extract_strided_slice %bitcast_convert_type3A_6 {offsets = [4, 0], sizes = [3196, 32], strides = [1, 1]} : vector<3200x32xf32> to vector<3196x32xf32>
    %mul3A_168 = arith.mulf %slice3A_166, %slice3A_167 : vector<3196x32xf32>
    %add3A_169 = arith.addf %mul3A_165, %mul3A_168 : vector<3196x32xf32>
    %dot_general3A_170 = arith.constant dense<0.000000e+00> : vector<1x3196xf32>
    %dot_general3A_171 = tpu.matmul %broadcast_in_dim3A_7, %add3A_169, %dot_general3A_170 {dimension_numbers = #tpu.dot_dimension_numbers<[1], [1], [0], [0], [0, 0, 1, 0], [], []>, transpose_lhs_hint = false} : vector<1x32xf32>, vector<3196x32xf32>, vector<1x3196xf32> -> vector<1x3196xf32>
    %iota3A_172 = tpu.iota {dimensions = array<i32: 1>} : vector<1x3196xi32>
    %jit3A_173 = arith.constant 50 : i32
    %eq3A_174 = arith.constant 0 : i32
    %eq3A_175 = arith.cmpi eq, %jit3A_173, %eq3A_174 : i32
    %jit3A_176 = arith.constant 1 : i32
    %select_n3A_177 = arith.select %eq3A_175, %jit3A_176, %jit3A_173 : i32
    %rem3A_178 = vector.broadcast %select_n3A_177 : i32 to vector<1x3196xi32>
    %rem3A_179 = arith.remsi %iota3A_172, %rem3A_178 : vector<1x3196xi32>
    %ne3A_180 = arith.constant 0 : i32
    %ne3A_181 = vector.broadcast %ne3A_180 : i32 to vector<1x3196xi32>
    %ne3A_182 = arith.cmpi ne, %rem3A_179, %ne3A_181 : vector<1x3196xi32>
    %lt3A_183 = arith.constant 0 : i32
    %lt3A_184 = vector.broadcast %lt3A_183 : i32 to vector<1x3196xi32>
    %lt3A_185 = arith.cmpi slt, %rem3A_179, %lt3A_184 : vector<1x3196xi32>
    %lt3A_186 = arith.constant 0 : i32
    %lt3A_187 = arith.cmpi slt, %select_n3A_177, %lt3A_186 : i32
    %ne3A_188 = vector.broadcast %lt3A_187 : i1 to vector<1x3196xi1>
    %ne3A_189 = vector.broadcast %ne3A_188 : vector<1x3196xi1> to vector<1x3196xi1>
    %ne3A_190 = arith.xori %lt3A_185, %ne3A_189 : vector<1x3196xi1>
    %and3A_191 = arith.andi %ne3A_190, %ne3A_182 : vector<1x3196xi1>
    %add3A_192 = vector.broadcast %select_n3A_177 : i32 to vector<1x3196xi32>
    %add3A_193 = arith.addi %rem3A_179, %add3A_192 : vector<1x3196xi32>
    %select_n3A_194 = arith.select %and3A_191, %add3A_193, %rem3A_179 : vector<1x3196xi1>, vector<1x3196xi32>
    %neg3A_195 = arith.constant 0.000000e+00 : f32
    %neg3A_196 = vector.broadcast %neg3A_195 : f32 to vector<1x3196xf32>
    %neg3A_197 = arith.subf %neg3A_196, %dot_general3A_171 : vector<1x3196xf32>
    %lt3A_198 = arith.constant 46 : i32
    %lt3A_199 = vector.broadcast %lt3A_198 : i32 to vector<1x3196xi32>
    %lt3A_200 = arith.cmpi slt, %select_n3A_194, %lt3A_199 : vector<1x3196xi32>
    %max3A_201 = arith.constant 0.000000e+00 : f32
    %max3A_202 = vector.broadcast %max3A_201 : f32 to vector<1x3196xf32>
    %max3A_203 = arith.maximumf %neg3A_197, %max3A_202 : vector<1x3196xf32>
    %abs3A_204 = math.absf %neg3A_197 : vector<1x3196xf32>
    %neg3A_205 = arith.constant 0.000000e+00 : f32
    %neg3A_206 = vector.broadcast %neg3A_205 : f32 to vector<1x3196xf32>
    %neg3A_207 = arith.subf %neg3A_206, %abs3A_204 : vector<1x3196xf32>
    %exp3A_208 = math.exp %neg3A_207 : vector<1x3196xf32>
    %log1p3A_209 = math.log1p %exp3A_208 : vector<1x3196xf32>
    %add3A_210 = arith.addf %max3A_203, %log1p3A_209 : vector<1x3196xf32>
    %jit3A_211 = arith.constant 0.000000e+00 : f32
    %broadcast_in_dim3A_212 = vector.broadcast %jit3A_211 : f32 to vector<1x3196xf32>
    %select_n3A_213 = arith.select %lt3A_200, %add3A_210, %broadcast_in_dim3A_212 : vector<1x3196xi1>, vector<1x3196xf32>
    %reduce_sum3A_214 = vector.shape_cast %select_n3A_213 : vector<1x3196xf32> to vector<1x1x3196xf32>
    %reduce_sum3A_215 = arith.constant dense<0.000000e+00> : vector<1xf32>
    %reduce_sum3A_216 = vector.multi_reduction <add>, %reduce_sum3A_214, %reduce_sum3A_215 [1, 2] : vector<1x1x3196xf32> to vector<1xf32>
    %reduce_sum3A_217 = vector.shape_cast %reduce_sum3A_216 : vector<1xf32> to vector<1x1x1xf32>
    %reduce_sum3A_218 = vector.extract %reduce_sum3A_217[0, 0, 0] : f32 from vector<1x1x1xf32>
    %add3A_219 = arith.addf %add3A_162, %reduce_sum3A_218 : f32
    %get3A_220 = arith.constant 0 : index
    %get3A_221 = arith.constant 0 : index
    %get3A_222 = vector.load %arg2[%get3A_220, %get3A_221] : memref<3200x32xi32, #tpu.memory_space<vmem>>, vector<3200x32xi32>
    %shift_left3A_223 = arith.constant 16 : i32
    %shift_left3A_224 = vector.broadcast %shift_left3A_223 : i32 to vector<3200x32xi32>
    %shift_left3A_225 = arith.shli %get3A_222, %shift_left3A_224 : vector<3200x32xi32>
    %bitcast_convert_type3A_226 = tpu.bitcast %shift_left3A_225 : vector<3200x32xi32> -> vector<3200x32xf32>
    %and3A_227 = arith.constant -65536 : i32
    %and3A_228 = vector.broadcast %and3A_227 : i32 to vector<3200x32xi32>
    %and3A_229 = arith.andi %get3A_222, %and3A_228 : vector<3200x32xi32>
    %bitcast_convert_type3A_230 = tpu.bitcast %and3A_229 : vector<3200x32xi32> -> vector<3200x32xf32>
    %mul3A_231 = arith.mulf %bitcast_convert_type3A, %bitcast_convert_type3A_226 : vector<3200x32xf32>
    %mul3A_232 = arith.mulf %bitcast_convert_type3A_6, %bitcast_convert_type3A_230 : vector<3200x32xf32>
    %add3A_233 = arith.addf %mul3A_231, %mul3A_232 : vector<3200x32xf32>
    %dot_general3A_234 = arith.constant dense<0.000000e+00> : vector<1x3200xf32>
    %dot_general3A_235 = tpu.matmul %broadcast_in_dim3A_7, %add3A_233, %dot_general3A_234 {dimension_numbers = #tpu.dot_dimension_numbers<[1], [1], [0], [0], [0, 0, 1, 0], [], []>, transpose_lhs_hint = false} : vector<1x32xf32>, vector<3200x32xf32>, vector<1x3200xf32> -> vector<1x3200xf32>
    %iota3A_236 = tpu.iota {dimensions = array<i32: 1>} : vector<1x3200xi32>
    %jit3A_237 = arith.constant 50 : i32
    %eq3A_238 = arith.constant 0 : i32
    %eq3A_239 = arith.cmpi eq, %jit3A_237, %eq3A_238 : i32
    %jit3A_240 = arith.constant 1 : i32
    %select_n3A_241 = arith.select %eq3A_239, %jit3A_240, %jit3A_237 : i32
    %rem3A_242 = vector.broadcast %select_n3A_241 : i32 to vector<1x3200xi32>
    %rem3A_243 = arith.remsi %iota3A_236, %rem3A_242 : vector<1x3200xi32>
    %ne3A_244 = arith.constant 0 : i32
    %ne3A_245 = vector.broadcast %ne3A_244 : i32 to vector<1x3200xi32>
    %ne3A_246 = arith.cmpi ne, %rem3A_243, %ne3A_245 : vector<1x3200xi32>
    %lt3A_247 = arith.constant 0 : i32
    %lt3A_248 = vector.broadcast %lt3A_247 : i32 to vector<1x3200xi32>
    %lt3A_249 = arith.cmpi slt, %rem3A_243, %lt3A_248 : vector<1x3200xi32>
    %lt3A_250 = arith.constant 0 : i32
    %lt3A_251 = arith.cmpi slt, %select_n3A_241, %lt3A_250 : i32
    %ne3A_252 = vector.broadcast %lt3A_251 : i1 to vector<1x3200xi1>
    %ne3A_253 = vector.broadcast %ne3A_252 : vector<1x3200xi1> to vector<1x3200xi1>
    %ne3A_254 = arith.xori %lt3A_249, %ne3A_253 : vector<1x3200xi1>
    %and3A_255 = arith.andi %ne3A_254, %ne3A_246 : vector<1x3200xi1>
    %add3A_256 = vector.broadcast %select_n3A_241 : i32 to vector<1x3200xi32>
    %add3A_257 = arith.addi %rem3A_243, %add3A_256 : vector<1x3200xi32>
    %select_n3A_258 = arith.select %and3A_255, %add3A_257, %rem3A_243 : vector<1x3200xi1>, vector<1x3200xi32>
    %lt3A_259 = arith.constant 46 : i32
    %lt3A_260 = vector.broadcast %lt3A_259 : i32 to vector<1x3200xi32>
    %lt3A_261 = arith.cmpi slt, %select_n3A_258, %lt3A_260 : vector<1x3200xi32>
    %max3A_262 = arith.constant 0.000000e+00 : f32
    %max3A_263 = vector.broadcast %max3A_262 : f32 to vector<1x3200xf32>
    %max3A_264 = arith.maximumf %dot_general3A_235, %max3A_263 : vector<1x3200xf32>
    %abs3A_265 = math.absf %dot_general3A_235 : vector<1x3200xf32>
    %neg3A_266 = arith.constant 0.000000e+00 : f32
    %neg3A_267 = vector.broadcast %neg3A_266 : f32 to vector<1x3200xf32>
    %neg3A_268 = arith.subf %neg3A_267, %abs3A_265 : vector<1x3200xf32>
    %exp3A_269 = math.exp %neg3A_268 : vector<1x3200xf32>
    %log1p3A_270 = math.log1p %exp3A_269 : vector<1x3200xf32>
    %add3A_271 = arith.addf %max3A_264, %log1p3A_270 : vector<1x3200xf32>
    %jit3A_272 = arith.constant 0.000000e+00 : f32
    %broadcast_in_dim3A_273 = vector.broadcast %jit3A_272 : f32 to vector<1x3200xf32>
    %select_n3A_274 = arith.select %lt3A_261, %add3A_271, %broadcast_in_dim3A_273 : vector<1x3200xi1>, vector<1x3200xf32>
    %reduce_sum3A_275 = vector.shape_cast %select_n3A_274 : vector<1x3200xf32> to vector<1x1x3200xf32>
    %reduce_sum3A_276 = arith.constant dense<0.000000e+00> : vector<1xf32>
    %reduce_sum3A_277 = vector.multi_reduction <add>, %reduce_sum3A_275, %reduce_sum3A_276 [1, 2] : vector<1x1x3200xf32> to vector<1xf32>
    %reduce_sum3A_278 = vector.shape_cast %reduce_sum3A_277 : vector<1xf32> to vector<1x1x1xf32>
    %reduce_sum3A_279 = vector.extract %reduce_sum3A_278[0, 0, 0] : f32 from vector<1x1x1xf32>
    %add3A_280 = arith.addf %add3A_219, %reduce_sum3A_279 : f32
    %get3A_281 = arith.constant 0 : index
    %get3A_282 = arith.constant 0 : index
    %get3A_283 = vector.load %arg3[%get3A_281, %get3A_282] : memref<3200x32xi32, #tpu.memory_space<vmem>>, vector<3200x32xi32>
    %shift_left3A_284 = arith.constant 16 : i32
    %shift_left3A_285 = vector.broadcast %shift_left3A_284 : i32 to vector<3200x32xi32>
    %shift_left3A_286 = arith.shli %get3A_283, %shift_left3A_285 : vector<3200x32xi32>
    %bitcast_convert_type3A_287 = tpu.bitcast %shift_left3A_286 : vector<3200x32xi32> -> vector<3200x32xf32>
    %and3A_288 = arith.constant -65536 : i32
    %and3A_289 = vector.broadcast %and3A_288 : i32 to vector<3200x32xi32>
    %and3A_290 = arith.andi %get3A_283, %and3A_289 : vector<3200x32xi32>
    %bitcast_convert_type3A_291 = tpu.bitcast %and3A_290 : vector<3200x32xi32> -> vector<3200x32xf32>
    %mul3A_292 = arith.mulf %bitcast_convert_type3A, %bitcast_convert_type3A_287 : vector<3200x32xf32>
    %mul3A_293 = arith.mulf %bitcast_convert_type3A_6, %bitcast_convert_type3A_291 : vector<3200x32xf32>
    %add3A_294 = arith.addf %mul3A_292, %mul3A_293 : vector<3200x32xf32>
    %dot_general3A_295 = arith.constant dense<0.000000e+00> : vector<1x3200xf32>
    %dot_general3A_296 = tpu.matmul %broadcast_in_dim3A_7, %add3A_294, %dot_general3A_295 {dimension_numbers = #tpu.dot_dimension_numbers<[1], [1], [0], [0], [0, 0, 1, 0], [], []>, transpose_lhs_hint = false} : vector<1x32xf32>, vector<3200x32xf32>, vector<1x3200xf32> -> vector<1x3200xf32>
    %iota3A_297 = tpu.iota {dimensions = array<i32: 1>} : vector<1x3200xi32>
    %jit3A_298 = arith.constant 50 : i32
    %eq3A_299 = arith.constant 0 : i32
    %eq3A_300 = arith.cmpi eq, %jit3A_298, %eq3A_299 : i32
    %jit3A_301 = arith.constant 1 : i32
    %select_n3A_302 = arith.select %eq3A_300, %jit3A_301, %jit3A_298 : i32
    %rem3A_303 = vector.broadcast %select_n3A_302 : i32 to vector<1x3200xi32>
    %rem3A_304 = arith.remsi %iota3A_297, %rem3A_303 : vector<1x3200xi32>
    %ne3A_305 = arith.constant 0 : i32
    %ne3A_306 = vector.broadcast %ne3A_305 : i32 to vector<1x3200xi32>
    %ne3A_307 = arith.cmpi ne, %rem3A_304, %ne3A_306 : vector<1x3200xi32>
    %lt3A_308 = arith.constant 0 : i32
    %lt3A_309 = vector.broadcast %lt3A_308 : i32 to vector<1x3200xi32>
    %lt3A_310 = arith.cmpi slt, %rem3A_304, %lt3A_309 : vector<1x3200xi32>
    %lt3A_311 = arith.constant 0 : i32
    %lt3A_312 = arith.cmpi slt, %select_n3A_302, %lt3A_311 : i32
    %ne3A_313 = vector.broadcast %lt3A_312 : i1 to vector<1x3200xi1>
    %ne3A_314 = vector.broadcast %ne3A_313 : vector<1x3200xi1> to vector<1x3200xi1>
    %ne3A_315 = arith.xori %lt3A_310, %ne3A_314 : vector<1x3200xi1>
    %and3A_316 = arith.andi %ne3A_315, %ne3A_307 : vector<1x3200xi1>
    %add3A_317 = vector.broadcast %select_n3A_302 : i32 to vector<1x3200xi32>
    %add3A_318 = arith.addi %rem3A_304, %add3A_317 : vector<1x3200xi32>
    %select_n3A_319 = arith.select %and3A_316, %add3A_318, %rem3A_304 : vector<1x3200xi1>, vector<1x3200xi32>
    %lt3A_320 = arith.constant 46 : i32
    %lt3A_321 = vector.broadcast %lt3A_320 : i32 to vector<1x3200xi32>
    %lt3A_322 = arith.cmpi slt, %select_n3A_319, %lt3A_321 : vector<1x3200xi32>
    %max3A_323 = arith.constant 0.000000e+00 : f32
    %max3A_324 = vector.broadcast %max3A_323 : f32 to vector<1x3200xf32>
    %max3A_325 = arith.maximumf %dot_general3A_296, %max3A_324 : vector<1x3200xf32>
    %abs3A_326 = math.absf %dot_general3A_296 : vector<1x3200xf32>
    %neg3A_327 = arith.constant 0.000000e+00 : f32
    %neg3A_328 = vector.broadcast %neg3A_327 : f32 to vector<1x3200xf32>
    %neg3A_329 = arith.subf %neg3A_328, %abs3A_326 : vector<1x3200xf32>
    %exp3A_330 = math.exp %neg3A_329 : vector<1x3200xf32>
    %log1p3A_331 = math.log1p %exp3A_330 : vector<1x3200xf32>
    %add3A_332 = arith.addf %max3A_325, %log1p3A_331 : vector<1x3200xf32>
    %jit3A_333 = arith.constant 0.000000e+00 : f32
    %broadcast_in_dim3A_334 = vector.broadcast %jit3A_333 : f32 to vector<1x3200xf32>
    %select_n3A_335 = arith.select %lt3A_322, %add3A_332, %broadcast_in_dim3A_334 : vector<1x3200xi1>, vector<1x3200xf32>
    %reduce_sum3A_336 = vector.shape_cast %select_n3A_335 : vector<1x3200xf32> to vector<1x1x3200xf32>
    %reduce_sum3A_337 = arith.constant dense<0.000000e+00> : vector<1xf32>
    %reduce_sum3A_338 = vector.multi_reduction <add>, %reduce_sum3A_336, %reduce_sum3A_337 [1, 2] : vector<1x1x3200xf32> to vector<1xf32>
    %reduce_sum3A_339 = vector.shape_cast %reduce_sum3A_338 : vector<1xf32> to vector<1x1x1xf32>
    %reduce_sum3A_340 = vector.extract %reduce_sum3A_339[0, 0, 0] : f32 from vector<1x1x1xf32>
    %add3A_341 = arith.addf %add3A_280, %reduce_sum3A_340 : f32
    %get3A_342 = arith.constant 0 : index
    %get3A_343 = arith.constant 0 : index
    %get3A_344 = vector.load %arg4[%get3A_342, %get3A_343] : memref<3200x32xi32, #tpu.memory_space<vmem>>, vector<3200x32xi32>
    %shift_left3A_345 = arith.constant 16 : i32
    %shift_left3A_346 = vector.broadcast %shift_left3A_345 : i32 to vector<3200x32xi32>
    %shift_left3A_347 = arith.shli %get3A_344, %shift_left3A_346 : vector<3200x32xi32>
    %bitcast_convert_type3A_348 = tpu.bitcast %shift_left3A_347 : vector<3200x32xi32> -> vector<3200x32xf32>
    %and3A_349 = arith.constant -65536 : i32
    %and3A_350 = vector.broadcast %and3A_349 : i32 to vector<3200x32xi32>
    %and3A_351 = arith.andi %get3A_344, %and3A_350 : vector<3200x32xi32>
    %bitcast_convert_type3A_352 = tpu.bitcast %and3A_351 : vector<3200x32xi32> -> vector<3200x32xf32>
    %mul3A_353 = arith.mulf %bitcast_convert_type3A, %bitcast_convert_type3A_348 : vector<3200x32xf32>
    %mul3A_354 = arith.mulf %bitcast_convert_type3A_6, %bitcast_convert_type3A_352 : vector<3200x32xf32>
    %add3A_355 = arith.addf %mul3A_353, %mul3A_354 : vector<3200x32xf32>
    %dot_general3A_356 = arith.constant dense<0.000000e+00> : vector<1x3200xf32>
    %dot_general3A_357 = tpu.matmul %broadcast_in_dim3A_7, %add3A_355, %dot_general3A_356 {dimension_numbers = #tpu.dot_dimension_numbers<[1], [1], [0], [0], [0, 0, 1, 0], [], []>, transpose_lhs_hint = false} : vector<1x32xf32>, vector<3200x32xf32>, vector<1x3200xf32> -> vector<1x3200xf32>
    %iota3A_358 = tpu.iota {dimensions = array<i32: 1>} : vector<1x3200xi32>
    %jit3A_359 = arith.constant 50 : i32
    %eq3A_360 = arith.constant 0 : i32
    %eq3A_361 = arith.cmpi eq, %jit3A_359, %eq3A_360 : i32
    %jit3A_362 = arith.constant 1 : i32
    %select_n3A_363 = arith.select %eq3A_361, %jit3A_362, %jit3A_359 : i32
    %rem3A_364 = vector.broadcast %select_n3A_363 : i32 to vector<1x3200xi32>
    %rem3A_365 = arith.remsi %iota3A_358, %rem3A_364 : vector<1x3200xi32>
    %ne3A_366 = arith.constant 0 : i32
    %ne3A_367 = vector.broadcast %ne3A_366 : i32 to vector<1x3200xi32>
    %ne3A_368 = arith.cmpi ne, %rem3A_365, %ne3A_367 : vector<1x3200xi32>
    %lt3A_369 = arith.constant 0 : i32
    %lt3A_370 = vector.broadcast %lt3A_369 : i32 to vector<1x3200xi32>
    %lt3A_371 = arith.cmpi slt, %rem3A_365, %lt3A_370 : vector<1x3200xi32>
    %lt3A_372 = arith.constant 0 : i32
    %lt3A_373 = arith.cmpi slt, %select_n3A_363, %lt3A_372 : i32
    %ne3A_374 = vector.broadcast %lt3A_373 : i1 to vector<1x3200xi1>
    %ne3A_375 = vector.broadcast %ne3A_374 : vector<1x3200xi1> to vector<1x3200xi1>
    %ne3A_376 = arith.xori %lt3A_371, %ne3A_375 : vector<1x3200xi1>
    %and3A_377 = arith.andi %ne3A_376, %ne3A_368 : vector<1x3200xi1>
    %add3A_378 = vector.broadcast %select_n3A_363 : i32 to vector<1x3200xi32>
    %add3A_379 = arith.addi %rem3A_365, %add3A_378 : vector<1x3200xi32>
    %select_n3A_380 = arith.select %and3A_377, %add3A_379, %rem3A_365 : vector<1x3200xi1>, vector<1x3200xi32>
    %lt3A_381 = arith.constant 46 : i32
    %lt3A_382 = vector.broadcast %lt3A_381 : i32 to vector<1x3200xi32>
    %lt3A_383 = arith.cmpi slt, %select_n3A_380, %lt3A_382 : vector<1x3200xi32>
    %max3A_384 = arith.constant 0.000000e+00 : f32
    %max3A_385 = vector.broadcast %max3A_384 : f32 to vector<1x3200xf32>
    %max3A_386 = arith.maximumf %dot_general3A_357, %max3A_385 : vector<1x3200xf32>
    %abs3A_387 = math.absf %dot_general3A_357 : vector<1x3200xf32>
    %neg3A_388 = arith.constant 0.000000e+00 : f32
    %neg3A_389 = vector.broadcast %neg3A_388 : f32 to vector<1x3200xf32>
    %neg3A_390 = arith.subf %neg3A_389, %abs3A_387 : vector<1x3200xf32>
    %exp3A_391 = math.exp %neg3A_390 : vector<1x3200xf32>
    %log1p3A_392 = math.log1p %exp3A_391 : vector<1x3200xf32>
    %add3A_393 = arith.addf %max3A_386, %log1p3A_392 : vector<1x3200xf32>
    %jit3A_394 = arith.constant 0.000000e+00 : f32
    %broadcast_in_dim3A_395 = vector.broadcast %jit3A_394 : f32 to vector<1x3200xf32>
    %select_n3A_396 = arith.select %lt3A_383, %add3A_393, %broadcast_in_dim3A_395 : vector<1x3200xi1>, vector<1x3200xf32>
    %reduce_sum3A_397 = vector.shape_cast %select_n3A_396 : vector<1x3200xf32> to vector<1x1x3200xf32>
    %reduce_sum3A_398 = arith.constant dense<0.000000e+00> : vector<1xf32>
    %reduce_sum3A_399 = vector.multi_reduction <add>, %reduce_sum3A_397, %reduce_sum3A_398 [1, 2] : vector<1x1x3200xf32> to vector<1xf32>
    %reduce_sum3A_400 = vector.shape_cast %reduce_sum3A_399 : vector<1xf32> to vector<1x1x1xf32>
    %reduce_sum3A_401 = vector.extract %reduce_sum3A_400[0, 0, 0] : f32 from vector<1x1x1xf32>
    %add3A_402 = arith.addf %add3A_341, %reduce_sum3A_401 : f32
    %get3A_403 = arith.constant 0 : index
    %get3A_404 = arith.constant 0 : index
    %get3A_405 = vector.load %arg5[%get3A_403, %get3A_404] : memref<3200x32xi32, #tpu.memory_space<vmem>>, vector<3200x32xi32>
    %shift_left3A_406 = arith.constant 16 : i32
    %shift_left3A_407 = vector.broadcast %shift_left3A_406 : i32 to vector<3200x32xi32>
    %shift_left3A_408 = arith.shli %get3A_405, %shift_left3A_407 : vector<3200x32xi32>
    %bitcast_convert_type3A_409 = tpu.bitcast %shift_left3A_408 : vector<3200x32xi32> -> vector<3200x32xf32>
    %and3A_410 = arith.constant -65536 : i32
    %and3A_411 = vector.broadcast %and3A_410 : i32 to vector<3200x32xi32>
    %and3A_412 = arith.andi %get3A_405, %and3A_411 : vector<3200x32xi32>
    %bitcast_convert_type3A_413 = tpu.bitcast %and3A_412 : vector<3200x32xi32> -> vector<3200x32xf32>
    %mul3A_414 = arith.mulf %bitcast_convert_type3A, %bitcast_convert_type3A_409 : vector<3200x32xf32>
    %mul3A_415 = arith.mulf %bitcast_convert_type3A_6, %bitcast_convert_type3A_413 : vector<3200x32xf32>
    %add3A_416 = arith.addf %mul3A_414, %mul3A_415 : vector<3200x32xf32>
    %dot_general3A_417 = arith.constant dense<0.000000e+00> : vector<1x3200xf32>
    %dot_general3A_418 = tpu.matmul %broadcast_in_dim3A_7, %add3A_416, %dot_general3A_417 {dimension_numbers = #tpu.dot_dimension_numbers<[1], [1], [0], [0], [0, 0, 1, 0], [], []>, transpose_lhs_hint = false} : vector<1x32xf32>, vector<3200x32xf32>, vector<1x3200xf32> -> vector<1x3200xf32>
    %iota3A_419 = tpu.iota {dimensions = array<i32: 1>} : vector<1x3200xi32>
    %jit3A_420 = arith.constant 50 : i32
    %eq3A_421 = arith.constant 0 : i32
    %eq3A_422 = arith.cmpi eq, %jit3A_420, %eq3A_421 : i32
    %jit3A_423 = arith.constant 1 : i32
    %select_n3A_424 = arith.select %eq3A_422, %jit3A_423, %jit3A_420 : i32
    %rem3A_425 = vector.broadcast %select_n3A_424 : i32 to vector<1x3200xi32>
    %rem3A_426 = arith.remsi %iota3A_419, %rem3A_425 : vector<1x3200xi32>
    %ne3A_427 = arith.constant 0 : i32
    %ne3A_428 = vector.broadcast %ne3A_427 : i32 to vector<1x3200xi32>
    %ne3A_429 = arith.cmpi ne, %rem3A_426, %ne3A_428 : vector<1x3200xi32>
    %lt3A_430 = arith.constant 0 : i32
    %lt3A_431 = vector.broadcast %lt3A_430 : i32 to vector<1x3200xi32>
    %lt3A_432 = arith.cmpi slt, %rem3A_426, %lt3A_431 : vector<1x3200xi32>
    %lt3A_433 = arith.constant 0 : i32
    %lt3A_434 = arith.cmpi slt, %select_n3A_424, %lt3A_433 : i32
    %ne3A_435 = vector.broadcast %lt3A_434 : i1 to vector<1x3200xi1>
    %ne3A_436 = vector.broadcast %ne3A_435 : vector<1x3200xi1> to vector<1x3200xi1>
    %ne3A_437 = arith.xori %lt3A_432, %ne3A_436 : vector<1x3200xi1>
    %and3A_438 = arith.andi %ne3A_437, %ne3A_429 : vector<1x3200xi1>
    %add3A_439 = vector.broadcast %select_n3A_424 : i32 to vector<1x3200xi32>
    %add3A_440 = arith.addi %rem3A_426, %add3A_439 : vector<1x3200xi32>
    %select_n3A_441 = arith.select %and3A_438, %add3A_440, %rem3A_426 : vector<1x3200xi1>, vector<1x3200xi32>
    %lt3A_442 = arith.constant 46 : i32
    %lt3A_443 = vector.broadcast %lt3A_442 : i32 to vector<1x3200xi32>
    %lt3A_444 = arith.cmpi slt, %select_n3A_441, %lt3A_443 : vector<1x3200xi32>
    %max3A_445 = arith.constant 0.000000e+00 : f32
    %max3A_446 = vector.broadcast %max3A_445 : f32 to vector<1x3200xf32>
    %max3A_447 = arith.maximumf %dot_general3A_418, %max3A_446 : vector<1x3200xf32>
    %abs3A_448 = math.absf %dot_general3A_418 : vector<1x3200xf32>
    %neg3A_449 = arith.constant 0.000000e+00 : f32
    %neg3A_450 = vector.broadcast %neg3A_449 : f32 to vector<1x3200xf32>
    %neg3A_451 = arith.subf %neg3A_450, %abs3A_448 : vector<1x3200xf32>
    %exp3A_452 = math.exp %neg3A_451 : vector<1x3200xf32>
    %log1p3A_453 = math.log1p %exp3A_452 : vector<1x3200xf32>
    %add3A_454 = arith.addf %max3A_447, %log1p3A_453 : vector<1x3200xf32>
    %jit3A_455 = arith.constant 0.000000e+00 : f32
    %broadcast_in_dim3A_456 = vector.broadcast %jit3A_455 : f32 to vector<1x3200xf32>
    %select_n3A_457 = arith.select %lt3A_444, %add3A_454, %broadcast_in_dim3A_456 : vector<1x3200xi1>, vector<1x3200xf32>
    %reduce_sum3A_458 = vector.shape_cast %select_n3A_457 : vector<1x3200xf32> to vector<1x1x3200xf32>
    %reduce_sum3A_459 = arith.constant dense<0.000000e+00> : vector<1xf32>
    %reduce_sum3A_460 = vector.multi_reduction <add>, %reduce_sum3A_458, %reduce_sum3A_459 [1, 2] : vector<1x1x3200xf32> to vector<1xf32>
    %reduce_sum3A_461 = vector.shape_cast %reduce_sum3A_460 : vector<1xf32> to vector<1x1x1xf32>
    %reduce_sum3A_462 = vector.extract %reduce_sum3A_461[0, 0, 0] : f32 from vector<1x1x1xf32>
    %add3A_463 = arith.addf %add3A_402, %reduce_sum3A_462 : f32
    %eq3A_464 = arith.constant 0 : i32
    %eq3A_465 = arith.cmpi eq, %arg0, %eq3A_464 : i32
    %convert_element_type3A = arith.extui %eq3A_465 : i1 to i32
    %cond3A = arith.constant 0 : i32
    %cond3A_466 = arith.cmpi ne, %convert_element_type3A, %cond3A : i32
    scf.if %cond3A_466 {
      %broadcast_in_dim3A_478 = arith.constant 0.000000e+00 : f32
      %broadcast_in_dim3A_479 = vector.broadcast %broadcast_in_dim3A_478 : f32 to vector<1x1xf32>
      %swap3A_480 = arith.constant 0 : index
      %swap3A_481 = arith.constant 0 : index
      %swap3A_482 = vector.load %arg6[%swap3A_480, %swap3A_481] : memref<1x1xf32, #tpu.memory_space<vmem>>, vector<1x1xf32>
      tpu.vector_store %arg6[%swap3A_480, %swap3A_481], %broadcast_in_dim3A_479 {strides = array<i32>} : memref<1x1xf32, #tpu.memory_space<vmem>>, vector<1x1xf32>,
    } else {
    }
    %get3A_467 = arith.constant 0 : index
    %get3A_468 = arith.constant 0 : index
    %get3A_469 = vector.load %arg6[%get3A_467, %get3A_468] : memref<1x1xf32, #tpu.memory_space<vmem>>, vector<1x1xf32>
    %reshape3A = vector.broadcast %add3A_463 : f32 to vector<1x1xf32>
    %add3A_470 = arith.addf %get3A_469, %reshape3A : vector<1x1xf32>
    %swap3A = arith.constant 0 : index
    %swap3A_471 = arith.constant 0 : index
    %swap3A_472 = vector.load %arg6[%swap3A, %swap3A_471] : memref<1x1xf32, #tpu.memory_space<vmem>>, vector<1x1xf32>
    tpu.vector_store %arg6[%swap3A, %swap3A_471], %add3A_470 {strides = array<i32>} : memref<1x1xf32, #tpu.memory_space<vmem>>, vector<1x1xf32>,
    %eq3A_473 = arith.constant 63 : i32
    %eq3A_474 = arith.cmpi eq, %arg0, %eq3A_473 : i32
    %convert_element_type3A_475 = arith.extui %eq3A_474 : i1 to i32
    %cond3A_476 = arith.constant 0 : i32
    %cond3A_477 = arith.cmpi ne, %convert_element_type3A_475, %cond3A_476 : i32
    scf.if %cond3A_477 {
      %get3A_478 = arith.constant 0 : index
      %get3A_479 = arith.constant 0 : index
      %get3A_480 = vector.load %arg6[%get3A_478, %get3A_479] : memref<1x1xf32, #tpu.memory_space<vmem>>, vector<1x1xf32>
      %mul3A_481 = arith.constant 6.63425624E-7 : f32
      %mul3A_482 = vector.broadcast %mul3A_481 : f32 to vector<1x1xf32>
      %mul3A_483 = arith.mulf %get3A_480, %mul3A_482 : vector<1x1xf32>
      %swap3A_484 = arith.constant 0 : index
      %swap3A_485 = arith.constant 0 : index
      %swap3A_486 = vector.load %arg6[%swap3A_484, %swap3A_485] : memref<1x1xf32, #tpu.memory_space<vmem>>, vector<1x1xf32>
      tpu.vector_store %arg6[%swap3A_484, %swap3A_485], %mul3A_483 {strides = array<i32>} : memref<1x1xf32, #tpu.memory_space<vmem>>, vector<1x1xf32>,
    } else {
    }
    return
  }
  func.func @transform_0(%arg0: i32) -> (i32, i32) {
    %add3A = arith.constant 0 : i32
    %add3A_0 = arith.addi %add3A, %arg0 : i32
    %c0_i32 = arith.constant 0 : i32
    %c0_i32_1 = arith.constant 0 : i32
    return %add3A_0, %c0_i32 : i32, i32
  }
  func.func @transform_1(%arg0: i32) -> (i32, i32) {
    %add3A = arith.constant 64 : i32
    %add3A_0 = arith.addi %add3A, %arg0 : i32
    %c0_i32 = arith.constant 0 : i32
    %c0_i32_1 = arith.constant 0 : i32
    return %add3A_0, %c0_i32 : i32, i32
  }
  func.func @transform_2(%arg0: i32) -> (i32, i32) {
    %add3A = arith.constant 128 : i32
    %add3A_0 = arith.addi %add3A, %arg0 : i32
    %c0_i32 = arith.constant 0 : i32
    %c0_i32_1 = arith.constant 0 : i32
    return %add3A_0, %c0_i32 : i32, i32
  }
  func.func @transform_3(%arg0: i32) -> (i32, i32) {
    %add3A = arith.constant 192 : i32
    %add3A_0 = arith.addi %add3A, %arg0 : i32
    %c0_i32 = arith.constant 0 : i32
    %c0_i32_1 = arith.constant 0 : i32
    return %add3A_0, %c0_i32 : i32, i32
  }
  func.func @transform_4(%arg0: i32) -> (i32, i32) {
    %add3A = arith.constant 256 : i32
    %add3A_0 = arith.addi %add3A, %arg0 : i32
    %c0_i32 = arith.constant 0 : i32
    %c0_i32_1 = arith.constant 0 : i32
    return %add3A_0, %c0_i32 : i32, i32
  }
  func.func @transform_5(%arg0: i32) -> (i32, i32) {
    %c0_i32 = arith.constant 0 : i32
    %c0_i32_0 = arith.constant 0 : i32
    %c0_i32_1 = arith.constant 0 : i32
    return %c0_i32, %c0_i32_0 : i32, i32
  }
}

</mosaic_0001>

<sc_bundles>
// kernel: kernel.5.cloned.1.call-start
scs
__scs_entry_jumppad:
0x0: {  	(pc) =	sbr.rel $0x88, $3  }
0x1: {  	(tag) =	ssettag $0x0;
	lr =	simm.s32 $0x1  }
0x2: {  	[smem:$0x3F9F] =	sst lr;
	_ =	strace $0xD0000000  }
0x3: {  	_ = 	snop  }
0x4: {  	_ = 	snop  }
0x5: {  	_ = 	snop  }
0x6: {  	_ = 	snop  }
0x7: {  	_ = 	snop  }
__scs_overlays_trampoline_lowered:
0x8: {  	[smem:$0x3FAE] =	sst s0  }
0x9: {  	[smem:$0x3FAF] =	sst s1  }
0xa: {  	[smem:$0x3FB0] =	sst s2  }
0xb: {  	[smem:$0x3FB1] =	sst s3  }
0xc: {  	[smem:$0x3FB2] =	sst s4  }
0xd: {  	[smem:$0x3FB3] =	sst s5  }
0xe: {  	[smem:$0x3FB4] =	sst s6  }
0xf: {  	[smem:$0x3FB5] =	sst s7  }
0x10: {  	[smem:$0x3FB6] =	sst s8  }
0x11: {  	[smem:$0x3FB7] =	sst s9;
	s0 =	simm.s32 @!p0 $0x0  }
0x12: {  	s1 =	sld [smem:$0x3F9D];
	s0 =	simm.s32 @p0 $0x1  }
0x13: {  	[smem:$0x3FB8] =	sst s0;
	s0 =	simm.s32 @!p1 $0x0  }
0x14: {  	s2 =	sld [smem:$0x3F9C];
	s0 =	simm.s32 @p1 $0x1  }
0x15: {  	[smem:$0x3FB9] =	sst s0;
	s0 =	simm.s32 @!p2 $0x0  }
0x16: {  	s3 =	sld [smem:$0x3FDB];
	s0 =	simm.s32 @p2 $0x1  }
0x17: {  	s4 =	simm.s32 $0x1BF5;
	[smem:$0x3FBB] =	sst s0  }
0x18: {  	s0 =	sld [smem:$0x3F9E];
	_ =	swait.ge [sflag:s4], $0x0  }
0x19: {  	s7 =	sld [smem:$0x3F9F]  }
0x1a: {  	s8 =	sadd.s32 $0xFFFFE003, lr  }
0x1b: {  	s9 =	sadd.s32 $0xFFFFFEF7, lr;
	s5 =	simm.s32 $0xFFFFFFFF;
	p2 =	slt.u32 s8, $0xFFFFF086  }
0x1c: {  	p1 =	slt.u32 s9, $0xF7A;
	s5 =	simm.s32 @!p2 $0x0  }
0x1d: {  	s5 =	simm.s32 @p1 $0x1;
	p0 =	seq.s32 s7, s2  }
0x1e: {  	s7 =	smul.u32 @!p0 $0xF7A, s2;
	p2 =	seq.s32 @!p0 s5, $0x0  }
0x1f: {  	s9 =	smul.u32 $0xF7A, s1;
	s8 =	simm.s32 @!p0 $0x1BF5;
	p2 =	por !p2, p0  }
0x20: {  	[sflag:s8] =	ssyncset.s32 @!p0 $0xFFFFF086;
	s6 =	sadd.s32 @!p0 s3, s7;
	s7 =	simm.s32 @!p0 $0x108  }
0x21: {  	s3 =	sadd.s32 s3, s9;
	s6 =	sadd.s32 @!p0 $0x88, s6;
	s7 =	simm.s32 @p2 $0x1082  }
0x22: {  	[simem:s7], [sflag:s8] =	dma.local @!p0 [hbm:s6], $0xF7A  }
0x23: {  	s9 =	sor.u32 $0xD0000000, s2;
	s6 =	simm.s32 $0x108;
	_ =	swait.ge @!p0 [sflag:s8], $0x0  }
0x24: {  	s3 =	sadd.s32 $0x88, s3;
	s6 =	simm.s32 @!p1 $0x1082;
	[sflag:s4] =	ssyncset.s32 $0xFFFFF086  }
0x25: {  	[simem:s6], [sflag:s4] =	dma.local [hbm:s3], $0xF7A  }
0x26: {  	[smem:$0x3F9F] =	sst s1;
	(tag) =	ssettag s2;
	_ =	strace s9  }
0x27: {  	s1 =	sld [smem:$0x3FAF]  }
0x28: {  	s2 =	sld [smem:$0x3FB0]  }
0x29: {  	s4 =	sld [smem:$0x3FB2]  }
0x2a: {  	p0 =	seq.s32 s5, $0x0;
	s5 =	sld [smem:$0x3FB3]  }
0x2b: {  	s6 =	sld [smem:$0x3FB4]  }
0x2c: {  	s7 =	sld [smem:$0x3FB5]  }
0x2d: {  	s3 =	simm.s32 $0x108;
	s8 =	sld [smem:$0x3FB6]  }
0x2e: {  	s3 =	simm.s32 @!p0 $0x1082;
	s9 =	sld [smem:$0x3FB7]  }
0x2f: {  	lr =	sadd.s32 s0, s3;
	s0 =	sld [smem:$0x3FAE]  }
0x30: {  	s3 =	sld [smem:$0x3FB1]  }
0x31: {  	[smem:$0x3FBA] =	sst s10  }
0x32: {  	s10 =	sld [smem:$0x3FB8];
	_ =	sdelay $0x3  }
0x33: {  	p0 =	seq.s32 s10, $0x1;
	s10 =	sld [smem:$0x3FBA];
	_ =	sdelay $0x3  }
0x34: {  	[smem:$0x3FBA] =	sst s10  }
0x35: {  	s10 =	sld [smem:$0x3FB9];
	_ =	sdelay $0x3  }
0x36: {  	p1 =	seq.s32 s10, $0x1;
	s10 =	sld [smem:$0x3FBA];
	_ =	sdelay $0x3  }
0x37: {  	[smem:$0x3FBA] =	sst s10  }
0x38: {  	s10 =	sld [smem:$0x3FBB]  }
0x39: {  	_ = 	snop;
	(pc) =	sbr.ind lr, $3  }
0x3a: {  	_ = 	snop  }
0x3b: {  	_ = 	snop  }
0x3c: {  	p2 =	seq.s32 s10, $0x1;
	s10 =	sld [smem:$0x3FBA]  }
0x3d: {  	_ =	shalt  }
0x3e: {  	_ =	shalt  }
0x3f: {  	_ =	shalt  }
0x40: {  	_ =	shalt  }
0x41: {  	_ =	shalt  }
0x42: {  	_ =	shalt  }
0x43: {  	_ =	shalt  }
0x44: {  	_ =	shalt  }
0x45: {  	_ =	shalt  }
0x46: {  	_ =	shalt  }
0x47: {  	_ =	shalt  }
0x48: {  	_ =	shalt  }
0x49: {  	_ =	shalt  }
0x4a: {  	_ =	shalt  }
0x4b: {  	_ =	shalt  }
0x4c: {  	_ =	shalt  }
0x4d: {  	_ =	shalt  }
0x4e: {  	_ =	shalt  }
0x4f: {  	_ =	shalt  }
0x50: {  	_ =	shalt  }
0x51: {  	_ =	shalt  }
0x52: {  	_ =	shalt  }
0x53: {  	_ =	shalt  }
0x54: {  	_ =	shalt  }
0x55: {  	_ =	shalt  }
0x56: {  	_ =	shalt  }
0x57: {  	_ =	shalt  }
0x58: {  	_ =	shalt  }
0x59: {  	_ =	shalt  }
0x5a: {  	_ =	shalt  }
0x5b: {  	_ =	shalt  }
0x5c: {  	_ =	shalt  }
0x5d: {  	_ =	shalt  }
0x5e: {  	_ =	shalt  }
0x5f: {  	_ =	shalt  }
0x60: {  	_ =	shalt  }
0x61: {  	_ =	shalt  }
0x62: {  	_ =	shalt  }
0x63: {  	_ =	shalt  }
0x64: {  	_ =	shalt  }
0x65: {  	_ =	shalt  }
0x66: {  	_ =	shalt  }
0x67: {  	_ =	shalt  }
0x68: {  	_ =	shalt  }
0x69: {  	_ =	shalt  }
0x6a: {  	_ =	shalt  }
0x6b: {  	_ =	shalt  }
0x6c: {  	_ =	shalt  }
0x6d: {  	_ =	shalt  }
0x6e: {  	_ =	shalt  }
0x6f: {  	_ =	shalt  }
0x70: {  	_ =	shalt  }
0x71: {  	_ =	shalt  }
0x72: {  	_ =	shalt  }
0x73: {  	_ =	shalt  }
0x74: {  	_ =	shalt  }
0x75: {  	_ =	shalt  }
0x76: {  	_ =	shalt  }
0x77: {  	_ =	shalt  }
0x78: {  	_ =	shalt  }
0x79: {  	_ =	shalt  }
0x7a: {  	_ =	shalt  }
0x7b: {  	_ =	shalt  }
0x7c: {  	_ =	shalt  }
0x7d: {  	_ =	shalt  }
0x7e: {  	_ =	shalt  }
0x7f: {  	_ =	shalt  }
0x80: {  	_ =	shalt  }
0x81: {  	_ =	shalt  }
0x82: {  	_ =	shalt  }
0x83: {  	_ =	shalt  }
0x84: {  	_ =	shalt  }
0x85: {  	_ =	shalt  }
0x86: {  	_ =	shalt  }
0x87: {  	_ =	shalt  }
.Lfunc_end0:
.L_simem_size_0:
called_computation_lowered:
.L_overlay_start_0:
0x88: {  	s2 =	sld [smem:$0x3FD9]  }
0x89: {  	s3 =	sld [smem:$0x3FFE];
	_ =	sdelay $0x1  }
0x8a: {  	s1 =	srdreg.scid  }
0x8b: {  	s0 =	sand.u32 $0x1, s1  }
0x8c: {  	s16 =	sshll.u32 s0, $0xA;
	s2 =	sadd.s32 s3, s2  }
0x8d: {  	s2 =	sadd.s32 s2, s16  }
0x8e: {  	[smem:$0x3FC6] =	sst s2  }
0x8f: {  	_ = 	snop  }
0x90: {  	(tm) =	ssettm $0x1  }
0x91: {  	s17 =	sld [smem:$0x3FFB];
	_ =	sdelay $0x3  }
0x92: {  	_ =	strace s17  }
0x93: {  	s2 =	sld [smem:$0x3FFC];
	_ =	sdelay $0x3  }
0x94: {  	_ =	strace s2  }
0x95: {  	s2 =	sld [smem:$0x3FFD];
	_ =	sdelay $0x3  }
0x96: {  	_ =	strace s2  }
0x97: {  	_ =	strace $0x8FFFFFFF  }
0x98: {  	s18 =	sld [smem:$0x3FDB];
	_ =	sdelay $0x1  }
0x99: {  	s19 =	simm.s32 $_scs_section_size  }
0x9a: {  	s4 =	simm.s32 $_size__tile_overlayer_lowered;
	s5 =	simm.s32 $_tile_overlayer_lowered  }
0x9b: {  	s22 =	simm.s32 $0x1BFF;
	s21 =	sshll.u32 s5, $0x1;
	s2 =	sadd.s32 s19, s18  }
0x9c: {  	s6 =	simm.s32 $0x0;
	s20 =	sshll.u32 s4, $0x1;
	s4 =	sadd.s32 s21, s2  }
0x9d: {  	[timem:s6], [sflag:s22] =	dma.local [hbm:s4], s20  }
0x9e: {  	_ =	swait.ge [sflag:s22], s20  }
0x9f: {  	s3 =	ssub.s32 $0x0, s20;
	[sflag:s22] =	ssyncset.done $0x0  }
0xa0: {  	[sflag:s22] =	ssyncadd.s32 s3;
	_ =	sdelay $0x1  }
0xa1: {  	s23 =	simm.s32 $0x1B8B  }
0xa2: {  	_ =	swait.ge [sflag:s23], $0x1  }
0xa3: {  	[sflag:s23] =	ssyncset.done $0x0  }
0xa4: {  	s25 =	simm.s32 $0x1B8E;
	s24 =	sld [smem:$0x3FFE];
	[sflag:s23] =	ssyncadd.s32 $0xFFFFFFFF  }
0xa5: {  	s26 =	simm.s32 $execute0_lowered;
	[smem:$0x3FD2] =	sst s25  }
0xa6: {  	s4 =	sshll.u32 s26, $0x1;
	_ =	strace $0x80000046;
	[dreg:$0x1] =	wrdreg $0xFFFFFFFF  }
0xa7: {  	s28 =	simm.s32 $_size_execute0_lowered;
	s2 =	sadd.s32 s2, s4;
	[dreg:$0x0] =	wrdreg $0x0  }
0xa8: {  	s4 =	sshll.u32 s28, $0x1;
	[dreg:$0x2] =	wrdreg s2  }
0xa9: {  	[dreg:$0x3] =	wrdreg s4  }
0xaa: {  	[dreg:$0x4] =	wrdreg $0xC0  }
0xab: {  	_ =	task [dreg:s6], $0x5FFFF  }
0xac: {  	[dreg:$0x1] =	wrdreg $0xFFFFFFFF  }
0xad: {  	[dreg:$0x0] =	wrdreg $0x60  }
0xae: {  	[dreg:$0x2] =	wrdreg s24  }
0xaf: {  	[dreg:$0x3] =	wrdreg $0x9  }
0xb0: {  	_ =	task.clear_ibuf [dreg:s6], $0x4FFFF;
	_ =	strace $0x90000046  }
0xb1: {  	s29 =	simm.s32 $0x9;
	_ =	strace $0x80000048  }
0xb2: {  	_ =	swait.ge [sflag:s29], $0x1  }
0xb3: {  	[sflag:s29] =	ssyncadd.s32 $0xFFFFFFFF  }
0xb4: {  	_ =	strace $0x90000048  }
0xb5: {  	_ =	sfence  }
0xb6: {  	s30 =	sld [smem:$0x0];
	_ =	sdelay $0x2  }
0xb7: {  	s31 =	sshll.u32 s1, $0xD;
	s1 =	sshrl.u32 s1, $0x2  }
0xb8: {  	s3 =	sand.u32 $0x4000, s31;
	s1 =	sadd.s32 s1, s30  }
0xb9: {  	s0 =	sor.u32 s3, s0;
	s1 =	sshll.u32 s1, $0x11  }
0xba: {  	s0 =	sor.u32 s1, s0  }
0xbb: {  	s0 =	sadd.s32 $0x8F2B, s0  }
0xbc: {  	[sflag:s0] =	ssyncadd.remote.s32 $0x1  }
0xbd: {  	_ =	sfence.sel $0xFFFF  }
0xbe: {  	[dreg:$0x0] =	wrdreg $0xFFFFFFFF;
	(pc) =	sbr.abs _section_cstart, $3  }
0xbf: {  	[dreg:$0x1] =	wrdreg $0xFFFFFFFF  }
0xc0: {  	_ =	task.clear_ibuf [dreg:s6], $0x2FFFF;
	_ =	strace $0x9FFFFFFF  }
0xc1: {  	(tm) =	ssettm $0x7FFFFFFF  }
tec
execute0_lowered:
.L_overlay_start_1:
0x0: {  	(tag) =	ssettag $0x1  }
0x1: {  	s1 =	srdreg.scid  }
0x2: {  	s0 =	stileid.u32;
	s4 =	rddreg [dreg:$0x0];
	s2 =	simm.s32 $0x0  }
0x3: {  	s12 =	simm.s32 $0x7D00;
	s13 =	simm.s32 $0xCD00;
	s14 =	simm.s32 $0x1  }
0x4: {  	s15 =	simm.s32 $0x4;
	s16 =	simm.s32 $0x2;
	s17 =	simm.s32 $0x7A80  }
0x5: {  	s18 =	simm.s32 $0x0;
	s6 =	sand.u32 $0x1, s1;
	s9 =	smul.u32 $0xFA00, s0  }
0x6: {  	s26 =	sshll.u32 s0, $0x1;
	s1 =	rddreg [dreg:$0x1];
	s30 =	smul.u32 $0x3E800, s0  }
0x7: {  	[smem:$0x7FF] =	sst s2;
	s3 =	sadd.s32 $0xF62600, s4;
	s11 =	smul.u32 $0x7D00, s6  }
0x8: {  	s5 =	sor.u32 s6, s26;
	s8 =	ssub.s32 $0x2, s6;
	s31 =	smul.u32 $0x1F400, s6  }
0x9: {  	s10 =	sadd.s32 $0x20000, s4;
	s7 =	smul.u32 $0x7D00, s5;
	s28 =	sshrl.u32 s8, $0x1  }
0xa: {  	_ =	strace $0x80000047;
	s29 =	smul.u32 $0x1F400, s5;
	s8 =	ssub.s32 s8, s28  }
0xb: {  	s9 =	sadd.s32 s11, s9;
	s11 =	simm.s32 $0x280;
	s7 =	sshrl.u32 s7, $0x3  }
0xc: {  	s5 =	smax.u32 s8, $0x1;
	s9 =	sshll.u32 s9, $0x2;
	s8 =	sadd.s32 s30, s10  }
0xd: {  	s7 =	sadd.s32 s7, s4;
	s9 =	sadd.s32 s10, s9;
	s8 =	sadd.s32 s31, s8  }
0xe: {  	s4 =	sadd.s32 $0xC00, s7;
	s7 =	sadd.s32 s10, s29;
	s9 =	sadd.s32 $0xA00, s9  }
0xf: {  	s10 =	simm.s32 $0x3;
	s6 =	sadd.s32 $0x1E000, s7;
	s7 =	sadd.s32 $0x1EA00, s7  }
.LBB2_1:
0x10: {  	[tilespmem:s2], [sflag:$0x3] =	stream.linear.gather [hbm4b:s4+s2], $0x7D00, $0x38;
	[tilespmem:$0x11D00] =	vst v63  }
0x11: {  	_ =	swait.ge [sflag:s10], $0x7D00  }
0x12: {  	[sflag:s10] =	ssyncset.done $0x0  }
0x13: {  	[sflag:s10] =	ssyncadd.s32 $0xFFFF8300  }
0x14: {  	[tilespmem:s12], [sflag:$0x1] =	stream.indirect.gather [hbm4b:s3+s11], $0x20, s2, s11, $0xb8;
	[tilespmem:$0x11D00] =	vst v63  }
0x15: {  	s19 =	simm.s32 $0x280  }
0x16: {  	[tilespmem:s13], [sflag:$0x2] =	stream.indirect.gather [hbm4b:s3+s11], $0x20, s19, s11, $0xb8;
	[tilespmem:$0x11D00] =	vst v63  }
0x17: {  	_ =	swait.ge [sflag:s14], $0x5000  }
0x18: {  	[sflag:s14] =	ssyncset.done $0x0  }
0x19: {  	s29 =	sadd.s32 $0x0, s8;
	[sflag:s14] =	ssyncadd.s32 $0xFFFFB000  }
0x1a: {  	[hbm4b:s29+s2] =	stream.linear.scatter [tilespmem:s12], [sflag:$0x4], $0x5000, $0x38;
	[tilespmem:$0x11D00] =	vst v63  }
0x1b: {  	_ =	swait.ge [sflag:s15], $0x5000  }
0x1c: {  	[sflag:s15] =	ssyncset.done $0x0  }
0x1d: {  	s30 =	simm.s32 $0x500;
	[sflag:s15] =	ssyncadd.s32 $0xFFFFB000  }
0x1e: {  	[tilespmem:s12], [sflag:$0x1] =	stream.indirect.gather [hbm4b:s3+s11], $0x20, s30, s11, $0xb8;
	[tilespmem:$0x11D00] =	vst v63  }
0x1f: {  	_ =	swait.ge [sflag:s16], $0x5000  }
0x20: {  	[sflag:s16] =	ssyncset.done $0x0  }
0x21: {  	s31 =	sadd.s32 $0x0, s9;
	[sflag:s16] =	ssyncadd.s32 $0xFFFFB000  }
0x22: {  	[hbm4b:s31+s2] =	stream.linear.scatter [tilespmem:s13], [sflag:$0x3], $0x5000, $0x38;
	[tilespmem:$0x11D00] =	vst v63  }
0x23: {  	s21 =	simm.s32 $0x2800;
	_ =	swait.ge [sflag:s10], $0x5000  }
0x24: {  	s20 =	simm.s32 $0x500;
	s19 =	simm.s32 $0x1400;
	[sflag:s10] =	ssyncset.done $0x0  }
.LBB2_2:
0x25: {  	s22 =	sadd.s32 $0x280, s20  }
0x26: {  	[sflag:s10] =	ssyncadd.s32 $0xFFFFB000;
	s23 =	smov.u32 s21;
	s24 =	sadd.s32 $0x1400, s21  }
0x27: {  	[tilespmem:s13], [sflag:$0x2] =	stream.indirect.gather [hbm4b:s3+s11], $0x20, s22, s11, $0xb8;
	[tilespmem:$0x11D00] =	vst v63  }
0x28: {  	p0 =	sne.s32 s21, $0x1CC00;
	_ =	swait.ge [sflag:s14], $0x5000  }
0x29: {  	[sflag:s14] =	ssyncset.done $0x0  }
0x2a: {  	s21 =	sadd.s32 s19, s8;
	[sflag:s14] =	ssyncadd.s32 $0xFFFFB000  }
0x2b: {  	[hbm4b:s21+s2] =	stream.linear.scatter [tilespmem:s12], [sflag:$0x4], $0x5000, $0x38;
	[tilespmem:$0x11D00] =	vst v63  }
0x2c: {  	_ =	swait.ge [sflag:s15], $0x5000  }
0x2d: {  	[sflag:s15] =	ssyncset.done $0x0  }
0x2e: {  	s20 =	sadd.s32 $0x500, s20;
	[sflag:s15] =	ssyncadd.s32 $0xFFFFB000  }
0x2f: {  	[tilespmem:s12], [sflag:$0x1] =	stream.indirect.gather [hbm4b:s3+s11], $0x20, s20, s11, $0xb8;
	[tilespmem:$0x11D00] =	vst v63  }
0x30: {  	_ =	swait.ge [sflag:s16], $0x5000  }
.Ltmp0:
0x31: {  	[sflag:s16] =	ssyncset.done $0x0;
	(pc) =	sbr.rel @p0 .LBB2_2-.Ltmp0, $4  }
0x32: {  	s20 =	sadd.s32 s19, s9;
	s19 =	smov.u32 s23;
	[sflag:s16] =	ssyncadd.s32 $0xFFFFB000  }
0x33: {  	[hbm4b:s20+s2] =	stream.linear.scatter [tilespmem:s13], [sflag:$0x3], $0x5000, $0x38;
	[tilespmem:$0x11D00] =	vst v63  }
0x34: {  	_ =	swait.ge [sflag:s10], $0x5000  }
0x35: {  	s21 =	smov.u32 s24;
	s20 =	sshra.s32 s19, $0x2;
	[sflag:s10] =	ssyncset.done $0x0  }
0x36: {  	s21 =	sadd.s32 $0x280, s20;
	[sflag:s10] =	ssyncadd.s32 $0xFFFFB000  }
0x37: {  	[tilespmem:s13], [sflag:$0x2] =	stream.indirect.gather [hbm4b:s3+s11], $0x20, s21, s11, $0xb8;
	[tilespmem:$0x11D00] =	vst v63  }
0x38: {  	_ =	swait.ge [sflag:s14], $0x5000  }
0x39: {  	[sflag:s14] =	ssyncset.done $0x0  }
0x3a: {  	s29 =	sadd.s32 s19, s8;
	[sflag:s14] =	ssyncadd.s32 $0xFFFFB000  }
0x3b: {  	[hbm4b:s29+s2] =	stream.linear.scatter [tilespmem:s12], [sflag:$0x4], $0x5000, $0x38;
	[tilespmem:$0x11D00] =	vst v63  }
0x3c: {  	_ =	swait.ge [sflag:s15], $0x5000  }
0x3d: {  	[sflag:s15] =	ssyncset.done $0x0  }
0x3e: {  	s30 =	sadd.s32 $0x500, s20;
	[sflag:s15] =	ssyncadd.s32 $0xFFFFB000  }
0x3f: {  	[tilespmem:s12], [sflag:$0x1] =	stream.indirect.gather [hbm4b:s3+s11], $0x20, s30, s11, $0xb8;
	[tilespmem:$0x11D00] =	vst v63  }
0x40: {  	_ =	swait.ge [sflag:s16], $0x5000  }
0x41: {  	[sflag:s16] =	ssyncset.done $0x0  }
0x42: {  	s31 =	sadd.s32 s19, s9;
	[sflag:s16] =	ssyncadd.s32 $0xFFFFB000  }
0x43: {  	[hbm4b:s31+s2] =	stream.linear.scatter [tilespmem:s13], [sflag:$0x3], $0x5000, $0x38;
	[tilespmem:$0x11D00] =	vst v63  }
0x44: {  	_ =	swait.ge [sflag:s10], $0x5000  }
0x45: {  	[sflag:s10] =	ssyncset.done $0x0  }
0x46: {  	[sflag:s10] =	ssyncadd.s32 $0xFFFFB000  }
0x47: {  	[tilespmem:s13], [sflag:$0x2] =	stream.indirect.gather [hbm4b:s3+s11], $0x20, s17, s11, $0xb8;
	[tilespmem:$0x11D00] =	vst v63  }
0x48: {  	_ =	swait.ge [sflag:s14], $0x5000  }
0x49: {  	[sflag:s14] =	ssyncset.done $0x0  }
0x4a: {  	[sflag:s14] =	ssyncadd.s32 $0xFFFFB000  }
0x4b: {  	[hbm4b:s6+s2] =	stream.linear.scatter [tilespmem:s12], [sflag:$0x4], $0x5000, $0x38;
	[tilespmem:$0x11D00] =	vst v63  }
0x4c: {  	_ =	swait.ge [sflag:s15], $0x5000  }
0x4d: {  	[sflag:s15] =	ssyncset.done $0x0  }
0x4e: {  	[sflag:s15] =	ssyncadd.s32 $0xFFFFB000  }
0x4f: {  	s18 =	sadd.s32 $0x1, s18;
	_ =	swait.ge [sflag:s16], $0x5000  }
0x50: {  	p0 =	sne.s32 s18, s5;
	[sflag:s16] =	ssyncset.done $0x0  }
.Ltmp1:
0x51: {  	[sflag:s16] =	ssyncadd.s32 $0xFFFFB000;
	(pc) =	sbr.rel @p0 .LBB2_1-.Ltmp1, $4  }
0x52: {  	[hbm4b:s7+s2] =	stream.linear.scatter [tilespmem:s13], [sflag:$0x3], $0x5000, $0x38;
	[tilespmem:$0x11D00] =	vst v63  }
0x53: {  	_ =	swait.ge [sflag:s10], $0x5000  }
0x54: {  	[sflag:s10] =	ssyncset.done $0x0  }
0x55: {  	[sflag:s10] =	ssyncadd.s32 $0xFFFFB000  }
0x56: {  	_ =	sfence.sel $0x180000  }
0x57: {  	[bflag:$0x0] =	sbarrier.arrive $0xFFFF  }
0x58: {  	p0 =	sne.s32 s0, $0x0;
	_ =	strace $0x90000047  }
0x59: {  	s0 =	sadd.s32 @!p0 $0x100000, s1;
	[bflag:$0x2] =	sbarrier.arrive $0xFFFF  }
0x5a: {  	[sflag:s0] =	ssyncadd.tile.s32 @!p0 $0x1;
	_ =	shalt  }
.Lfunc_end2:
_tile_overlayer_lowered:
.L_overlay_start_2:
0x5b: {  	(tag) =	ssettag $0x2  }
0x5c: {  	s0 =	rddreg [dreg:$0x0];
	s2 =	stileid.u32  }
0x5d: {  	s1 =	rddreg [dreg:$0x1];
	p0 =	sne.s32 s2, $0x0  }
0x5e: {  	s3 =	rddreg [dreg:$0x2];
	[bflag:$0x3] =	sbarrier.arrive $0xFFFF;
	s2 =	simm.s32 @!p0 $0x1C03  }
0x5f: {  	[timem:s3], [sflag:s2] =	dma.local @!p0 [hbm:s0], s1  }
0x60: {  	s0 =	simm.s32 @!p0 $0x3  }
0x61: {  	_ =	swait.ge @!p0 [sflag:s0], s1  }
0x62: {  	s1 =	ssub.s32 @!p0 $0x0, s1;
	[sflag:s0] =	ssyncset.done @!p0 $0x0  }
0x63: {  	[sflag:s0] =	ssyncadd.s32 @!p0 s1  }
0x64: {  	[bflag:$0x3] =	sbarrier.arrive $0xFFFF  }
0x65: {  	_ =	shalt  }

</sc_bundles>
